<compile_context>
chip_gen: v7x
topology: tpu7x:2x2x1
jax: 0.10.2.dev20260603
libtpu: 0.0.44.dev20260713+nightly
codegen_flags: <defaults>
</compile_context>

<pallas_src>
import functools

import jax
import jax.numpy as jnp
from jax import lax
from jax.experimental import pallas as pl
from jax.experimental.pallas import tpu as pltpu
from jax.experimental.pallas import tpu_sc as plsc

P = 512
CH = 32
NPTS = 1024 * 1024
NC, NS, L = 2, 16, 16
NW = NC * NS
PTS_PER_W = NPTS // NW
SUP = 1024
NSUP = PTS_PER_W // SUP
SUB = 128
NSUB = SUP // SUB
NG = SUB // L
NTAP = 12


def _coord_terms(g, zero_i, one_i, pm1_i, zero_f):
    ix = ((g + 1.0) * jnp.float32(P) - 1.0) * 0.5
    it = ix.astype(jnp.int32)
    corr = jnp.where(it.astype(jnp.float32) > ix, one_i, zero_i)
    i0 = it - corr
    w = ix - i0.astype(jnp.float32)
    i1 = i0 + one_i
    w0 = jnp.where(i0 >= zero_i, jnp.where(i0 <= pm1_i, 1.0 - w, zero_f), zero_f)
    w1 = jnp.where(i1 >= zero_i, jnp.where(i1 <= pm1_i, w, zero_f), zero_f)
    i0c = jnp.minimum(jnp.maximum(i0, zero_i), pm1_i)
    i1c = jnp.minimum(jnp.maximum(i1, zero_i), pm1_i)
    return i0c, i1c, w0, w1


def _body(xa, xb, xc, p1, p2, p3, out, ca, cb, cc, wv, acc, sem, *tapbufs):
    idx_refs = tapbufs[:NTAP]
    row_refs = tapbufs[NTAP:]
    wid = lax.axis_index("s") * NC + lax.axis_index("c")
    lane = lax.iota(jnp.int32, L)
    zero_i = jnp.full((L,), 0, jnp.int32)
    one_i = jnp.full((L,), 1, jnp.int32)
    pm1_i = jnp.full((L,), P - 1, jnp.int32)
    zero_f = jnp.zeros((L,), jnp.float32)
    planes = (p1, p1, p1, p1, p2, p2, p2, p2, p3, p3, p3, p3)

    def sup_body(sup, carry):
        base = wid * PTS_PER_W + sup * SUP
        pltpu.sync_copy(xa.at[pl.ds(base, SUP)], ca)
        pltpu.sync_copy(xb.at[pl.ds(base, SUP)], cb)
        pltpu.sync_copy(xc.at[pl.ds(base, SUP)], cc)

        def sub_body(sub, carry):
            sbase = sub * SUB

            def idx_body(g, carry):
                off = sbase + g * L
                a0, a1, aw0, aw1 = _coord_terms(
                    ca[pl.ds(off, L)], zero_i, one_i, pm1_i, zero_f)
                b0, b1, bw0, bw1 = _coord_terms(
                    cb[pl.ds(off, L)], zero_i, one_i, pm1_i, zero_f)
                c0, c1, cw0, cw1 = _coord_terms(
                    cc[pl.ds(off, L)], zero_i, one_i, pm1_i, zero_f)
                b0r = b0 * P
                b1r = b1 * P
                c0r = c0 * P
                c1r = c1 * P
                taps = (
                    (b0r + a0, bw0 * aw0), (b0r + a1, bw0 * aw1),
                    (b1r + a0, bw1 * aw0), (b1r + a1, bw1 * aw1),
                    (c0r + a0, cw0 * aw0), (c0r + a1, cw0 * aw1),
                    (c1r + a0, cw1 * aw0), (c1r + a1, cw1 * aw1),
                    (c0r + b0, cw0 * bw0), (c0r + b1, cw0 * bw1),
                    (c1r + b0, cw1 * bw0), (c1r + b1, cw1 * bw1),
                )
                gl = g * L
                for t, (iv, wvv) in enumerate(taps):
                    idx_refs[t][pl.ds(gl, L)] = iv
                    wv[t, pl.ds(gl, L)] = wvv
                return carry

            lax.fori_loop(0, NG, idx_body, 0)

            copies = [
                pltpu.async_copy(planes[t].at[idx_refs[t]], row_refs[t], sem)
                for t in range(NTAP)
            ]
            for cpy in copies:
                cpy.wait()

            def acc_g(g, ridx):
                gl = g * L
                ws = [wv[t, pl.ds(gl, L)] for t in range(NTAP)]

                def acc_ch(chi, cvec):
                    s = ws[0] * plsc.load_gather(row_refs[0], [ridx, cvec])
                    for t in range(1, NTAP):
                        s = s + ws[t] * plsc.load_gather(row_refs[t], [ridx, cvec])
                    acc[chi, pl.ds(sbase + gl, L)] = s
                    return cvec + one_i

                lax.fori_loop(0, CH, acc_ch, zero_i)
                return ridx + L

            lax.fori_loop(0, NG, acc_g, lane)
            return carry

        lax.fori_loop(0, NSUB, sub_body, 0)
        pltpu.sync_copy(acc, out.at[:, pl.ds(base, SUP)])
        return carry

    lax.fori_loop(0, NSUP, sup_body, 0)


@functools.partial(jax.jit, static_argnames=())
def _tri_plane_sample(xa, xb, xc, p1, p2, p3):
    mesh = plsc.VectorSubcoreMesh(
        core_axis_name="c", subcore_axis_name="s",
        num_cores=NC, num_subcores=NS,
    )
    scratch = [
        pltpu.VMEM((SUP,), jnp.float32),
        pltpu.VMEM((SUP,), jnp.float32),
        pltpu.VMEM((SUP,), jnp.float32),
        pltpu.VMEM((NTAP, SUB), jnp.float32),
        pltpu.VMEM((CH, SUP), jnp.float32),
        pltpu.SemaphoreType.DMA,
    ]
    scratch += [pltpu.VMEM((SUB,), jnp.int32) for _ in range(NTAP)]
    scratch += [pltpu.VMEM((SUB, CH), jnp.float32) for _ in range(NTAP)]
    f = pl.kernel(
        _body,
        out_type=jax.ShapeDtypeStruct((CH, NPTS), jnp.float32),
        mesh=mesh,
        scratch_types=scratch,
        compiler_params=pltpu.CompilerParams(
            use_tc_tiling_on_sc=False, needs_layout_passes=False),
    )
    return f(xa, xb, xc, p1, p2, p3)


def kernel(x, plane1, plane2, plane3):
    g = x[0]
    xa = g[..., 0].reshape(-1)
    xb = g[..., 1].reshape(-1)
    xc = g[..., 2].reshape(-1)
    p1 = plane1.reshape(P * P, CH)
    p2 = plane2.reshape(P * P, CH)
    p3 = plane3.reshape(P * P, CH)
    out = _tri_plane_sample(xa, xb, xc, p1, p2, p3)
    return out.reshape(1, CH, 1024, 1024)

# --- scband reference (transcript-rebuilt; emitter-appended) ---
"""Pipeline reference for scband-encoder-35742717837497 (READ-ONLY COPY).

The authoritative reference and input builder live on the scoring server;
editing this copy changes nothing except your own understanding.
"""

import jax, jax.numpy as jnp
import numpy as np

H_, W_, D_, C_ = 512, 512, 512, 32


def _grid_sample(plane, grid):
    # plane: [H, W, C]; grid: [..., 2] with grid[...,0]=x (width), grid[...,1]=y (height)
    # Faithful to torch F.grid_sample bilinear, align_corners=False, padding_mode='zeros'.
    H, W, C = plane.shape
    gx = grid[..., 0]
    gy = grid[..., 1]
    ix = ((gx + 1.0) * W - 1.0) / 2.0
    iy = ((gy + 1.0) * H - 1.0) / 2.0
    ix0 = jnp.floor(ix)
    iy0 = jnp.floor(iy)
    ix1 = ix0 + 1.0
    iy1 = iy0 + 1.0
    wx = ix - ix0
    wy = iy - iy0

    def gather(yy, xx):
        valid = (xx >= 0) & (xx <= W - 1) & (yy >= 0) & (yy <= H - 1)
        xc = jnp.clip(xx, 0, W - 1).astype(jnp.int32)
        yc = jnp.clip(yy, 0, H - 1).astype(jnp.int32)
        return plane[yc, xc] * valid[..., None].astype(plane.dtype)

    v00 = gather(iy0, ix0)
    v01 = gather(iy0, ix1)
    v10 = gather(iy1, ix0)
    v11 = gather(iy1, ix1)
    out = (v00 * ((1.0 - wy) * (1.0 - wx))[..., None]
           + v01 * ((1.0 - wy) * wx)[..., None]
           + v10 * (wy * (1.0 - wx))[..., None]
           + v11 * (wy * wx)[..., None])
    return out


def setup_inputs(seed: int = 0):
    key = jax.random.key(seed)
    k1, k2, k3, k4 = jax.random.split(key, 4)
    x = jax.random.uniform(k1, (1, 1024, 1024, 3), dtype=jnp.float32)
    plane1 = jax.random.normal(k2, (H_, W_, C_), dtype=jnp.float32) * 0.1
    plane2 = jax.random.normal(k3, (H_, D_, C_), dtype=jnp.float32) * 0.1
    plane3 = jax.random.normal(k4, (W_, D_, C_), dtype=jnp.float32) * 0.1
    return {"x": x, "plane1": plane1, "plane2": plane2, "plane3": plane3}


def reference(x, plane1, plane2, plane3):
    # x: [1, Ho, Wo, 3] query coordinates; planes are [H, W, C] feature planes.
    # y1 = grid_sample(plane1, x[..., [0,1]]), y2 = grid_sample(plane2, x[..., [0,2]]),
    # y3 = grid_sample(plane3, x[..., [1,2]]); y = y1 + y2 + y3
    grid = x[0]
    y1 = _grid_sample(plane1, grid[..., jnp.array([0, 1])])
    y2 = _grid_sample(plane2, grid[..., jnp.array([0, 2])])
    y3 = _grid_sample(plane3, grid[..., jnp.array([1, 2])])
    y = y1 + y2 + y3
    # torch grid_sample output layout [N, C, Ho, Wo]
    return jnp.transpose(y, (2, 0, 1))[None]

if __name__ == "__main__":
    import jax
    _d = setup_inputs()
    print(jax.jit(kernel)(*tuple(_d.values())))

</pallas_src>

<mosaic_0001>
#map = affine_map<(d0, d1) -> (0)>
#map1 = affine_map<(d0, d1) -> (0, 0)>
module attributes {stable_mosaic.version = 14 : i64} {
  func.func @_body(%arg0: i32, %arg1: i32, %arg2: memref<1048576xf32, #tpu.memory_space<hbm>>, %arg3: memref<1048576xf32, #tpu.memory_space<hbm>>, %arg4: memref<1048576xf32, #tpu.memory_space<hbm>>, %arg5: memref<262144x32xf32, #tpu.memory_space<hbm>>, %arg6: memref<262144x32xf32, #tpu.memory_space<hbm>>, %arg7: memref<262144x32xf32, #tpu.memory_space<hbm>>, %arg8: memref<32x1048576xf32, #tpu.memory_space<hbm>>, %arg9: memref<1024xf32, #tpu.memory_space<vmem>>, %arg10: memref<1024xf32, #tpu.memory_space<vmem>>, %arg11: memref<1024xf32, #tpu.memory_space<vmem>>, %arg12: memref<12x128xf32, #tpu.memory_space<vmem>>, %arg13: memref<32x1024xf32, #tpu.memory_space<vmem>>, %arg14: memref<!tpu.dma_semaphore, #tpu.memory_space<semaphore_mem>>, %arg15: memref<128xi32, #tpu.memory_space<vmem>>, %arg16: memref<128xi32, #tpu.memory_space<vmem>>, %arg17: memref<128xi32, #tpu.memory_space<vmem>>, %arg18: memref<128xi32, #tpu.memory_space<vmem>>, %arg19: memref<128xi32, #tpu.memory_space<vmem>>, %arg20: memref<128xi32, #tpu.memory_space<vmem>>, %arg21: memref<128xi32, #tpu.memory_space<vmem>>, %arg22: memref<128xi32, #tpu.memory_space<vmem>>, %arg23: memref<128xi32, #tpu.memory_space<vmem>>, %arg24: memref<128xi32, #tpu.memory_space<vmem>>, %arg25: memref<128xi32, #tpu.memory_space<vmem>>, %arg26: memref<128xi32, #tpu.memory_space<vmem>>, %arg27: memref<128x32xf32, #tpu.memory_space<vmem>>, %arg28: memref<128x32xf32, #tpu.memory_space<vmem>>, %arg29: memref<128x32xf32, #tpu.memory_space<vmem>>, %arg30: memref<128x32xf32, #tpu.memory_space<vmem>>, %arg31: memref<128x32xf32, #tpu.memory_space<vmem>>, %arg32: memref<128x32xf32, #tpu.memory_space<vmem>>, %arg33: memref<128x32xf32, #tpu.memory_space<vmem>>, %arg34: memref<128x32xf32, #tpu.memory_space<vmem>>, %arg35: memref<128x32xf32, #tpu.memory_space<vmem>>, %arg36: memref<128x32xf32, #tpu.memory_space<vmem>>, %arg37: memref<128x32xf32, #tpu.memory_space<vmem>>, %arg38: memref<128x32xf32, #tpu.memory_space<vmem>>) attributes {dimension_semantics = [#tpu.dimension_semantics<core_parallel>, #tpu.dimension_semantics<subcore_parallel>], iteration_bounds = array<i64: 2, 16>, scalar_prefetch = 0 : i64, scratch_operands = 30 : i64, tpu.core_type = #tpu.core_type<sc_vector_subcore>, window_params = [{transform_indices = #map}, {transform_indices = #map}, {transform_indices = #map}, {transform_indices = #map1}, {transform_indices = #map1}, {transform_indices = #map1}, {transform_indices = #map1}]} {
    %mul3A = arith.constant 2 : i32
    %mul3A_0 = arith.muli %arg1, %mul3A : i32
    %add3A = arith.addi %mul3A_0, %arg0 : i32
    %iota3A = tpu.iota {dimensions = array<i32: 0>} : vector<16xi32>
    %broadcast_in_dim3A = arith.constant 0 : i32
    %broadcast_in_dim3A_1 = vector.broadcast %broadcast_in_dim3A : i32 to vector<16xi32>
    %broadcast_in_dim3A_2 = arith.constant 1 : i32
    %broadcast_in_dim3A_3 = vector.broadcast %broadcast_in_dim3A_2 : i32 to vector<16xi32>
    %broadcast_in_dim3A_4 = arith.constant 511 : i32
    %broadcast_in_dim3A_5 = vector.broadcast %broadcast_in_dim3A_4 : i32 to vector<16xi32>
    %broadcast_in_dim3A_6 = arith.constant 0.000000e+00 : f32
    %broadcast_in_dim3A_7 = vector.broadcast %broadcast_in_dim3A_6 : f32 to vector<16xf32>
    %scan3A = arith.constant 0 : i32
    %scan3A_8 = arith.constant 0 : i32
    %scan3A_9 = arith.constant 32 : i32
    %scan3A_10 = arith.addi %scan3A_8, %scan3A_9 : i32
    %scan3A_11 = arith.constant 1 : i32
    scf.for %scan3A_13 = %scan3A_8 to %scan3A_10 step %scan3A_11  : i32 {
      %mul3A_14 = arith.constant 32768 : i32
      %mul3A_15 = arith.muli %add3A, %mul3A_14 : i32
      %mul3A_16 = arith.constant 1024 : i32
      %mul3A_17 = arith.muli %scan3A_13, %mul3A_16 : i32
      %add3A_18 = arith.addi %mul3A_15, %mul3A_17 : i32
      "tpu.region"() ({
        %run_scoped3A = tpu.sem_alloc : memref<!tpu.dma_semaphore, #tpu.memory_space<semaphore_mem>>
        %dma_start3A = tpu.memref_slice %arg2[%add3A_18] : memref<1048576xf32, #tpu.memory_space<hbm>> -> memref<1024xf32, #tpu.memory_space<hbm>>
        %dma_start3A_25 = tpu.memref_slice %arg2[%add3A_18] : memref<1048576xf32, #tpu.memory_space<hbm>> -> memref<1024xf32, #tpu.memory_space<hbm>>
        tpu.enqueue_dma source(%dma_start3A_25 : memref<1024xf32, #tpu.memory_space<hbm>>) target(%arg9 : memref<1024xf32, #tpu.memory_space<vmem>>) target_semaphore(%run_scoped3A : memref<!tpu.dma_semaphore, #tpu.memory_space<semaphore_mem>>)
        %dma_wait3A = tpu.memref_slice %arg2[%add3A_18] : memref<1048576xf32, #tpu.memory_space<hbm>> -> memref<1024xf32, #tpu.memory_space<hbm>>
        %dma_wait3A_26 = tpu.memref_slice %arg2[%add3A_18] : memref<1048576xf32, #tpu.memory_space<hbm>> -> memref<1024xf32, #tpu.memory_space<hbm>>
        tpu.wait_dma2 semaphore(%run_scoped3A : memref<!tpu.dma_semaphore, #tpu.memory_space<semaphore_mem>>) src(%dma_wait3A_26 : memref<1024xf32, #tpu.memory_space<hbm>>) dst(%arg9 : memref<1024xf32, #tpu.memory_space<vmem>>)
        tpu.yield
      }) : () -> ()
      "tpu.region"() ({
        %run_scoped3A = tpu.sem_alloc : memref<!tpu.dma_semaphore, #tpu.memory_space<semaphore_mem>>
        %dma_start3A = tpu.memref_slice %arg3[%add3A_18] : memref<1048576xf32, #tpu.memory_space<hbm>> -> memref<1024xf32, #tpu.memory_space<hbm>>
        %dma_start3A_25 = tpu.memref_slice %arg3[%add3A_18] : memref<1048576xf32, #tpu.memory_space<hbm>> -> memref<1024xf32, #tpu.memory_space<hbm>>
        tpu.enqueue_dma source(%dma_start3A_25 : memref<1024xf32, #tpu.memory_space<hbm>>) target(%arg10 : memref<1024xf32, #tpu.memory_space<vmem>>) target_semaphore(%run_scoped3A : memref<!tpu.dma_semaphore, #tpu.memory_space<semaphore_mem>>)
        %dma_wait3A = tpu.memref_slice %arg3[%add3A_18] : memref<1048576xf32, #tpu.memory_space<hbm>> -> memref<1024xf32, #tpu.memory_space<hbm>>
        %dma_wait3A_26 = tpu.memref_slice %arg3[%add3A_18] : memref<1048576xf32, #tpu.memory_space<hbm>> -> memref<1024xf32, #tpu.memory_space<hbm>>
        tpu.wait_dma2 semaphore(%run_scoped3A : memref<!tpu.dma_semaphore, #tpu.memory_space<semaphore_mem>>) src(%dma_wait3A_26 : memref<1024xf32, #tpu.memory_space<hbm>>) dst(%arg10 : memref<1024xf32, #tpu.memory_space<vmem>>)
        tpu.yield
      }) : () -> ()
      "tpu.region"() ({
        %run_scoped3A = tpu.sem_alloc : memref<!tpu.dma_semaphore, #tpu.memory_space<semaphore_mem>>
        %dma_start3A = tpu.memref_slice %arg4[%add3A_18] : memref<1048576xf32, #tpu.memory_space<hbm>> -> memref<1024xf32, #tpu.memory_space<hbm>>
        %dma_start3A_25 = tpu.memref_slice %arg4[%add3A_18] : memref<1048576xf32, #tpu.memory_space<hbm>> -> memref<1024xf32, #tpu.memory_space<hbm>>
        tpu.enqueue_dma source(%dma_start3A_25 : memref<1024xf32, #tpu.memory_space<hbm>>) target(%arg11 : memref<1024xf32, #tpu.memory_space<vmem>>) target_semaphore(%run_scoped3A : memref<!tpu.dma_semaphore, #tpu.memory_space<semaphore_mem>>)
        %dma_wait3A = tpu.memref_slice %arg4[%add3A_18] : memref<1048576xf32, #tpu.memory_space<hbm>> -> memref<1024xf32, #tpu.memory_space<hbm>>
        %dma_wait3A_26 = tpu.memref_slice %arg4[%add3A_18] : memref<1048576xf32, #tpu.memory_space<hbm>> -> memref<1024xf32, #tpu.memory_space<hbm>>
        tpu.wait_dma2 semaphore(%run_scoped3A : memref<!tpu.dma_semaphore, #tpu.memory_space<semaphore_mem>>) src(%dma_wait3A_26 : memref<1024xf32, #tpu.memory_space<hbm>>) dst(%arg11 : memref<1024xf32, #tpu.memory_space<vmem>>)
        tpu.yield
      }) : () -> ()
      %scan3A_19 = arith.constant 0 : i32
      %scan3A_20 = arith.constant 0 : i32
      %scan3A_21 = arith.constant 8 : i32
      %scan3A_22 = arith.addi %scan3A_20, %scan3A_21 : i32
      %scan3A_23 = arith.constant 1 : i32
      scf.for %scan3A_25 = %scan3A_20 to %scan3A_22 step %scan3A_23  : i32 {
        %mul3A_26 = arith.constant 128 : i32
        %mul3A_27 = arith.muli %scan3A_25, %mul3A_26 : i32
        %scan3A_28 = arith.constant 0 : i32
        %scan3A_29 = arith.constant 0 : i32
        %scan3A_30 = arith.constant 8 : i32
        %scan3A_31 = arith.addi %scan3A_29, %scan3A_30 : i32
        %scan3A_32 = arith.constant 1 : i32
        scf.for %scan3A_110 = %scan3A_29 to %scan3A_31 step %scan3A_32  : i32 {
          %mul3A_111 = arith.constant 16 : i32
          %mul3A_112 = arith.muli %scan3A_110, %mul3A_111 : i32
          %add3A_113 = arith.addi %mul3A_27, %mul3A_112 : i32
          %get3A = arith.index_cast %add3A_113 : i32 to index
          %get3A_114 = tpu.vector_load %arg9[%get3A] {strides = array<i32>} : memref<1024xf32, #tpu.memory_space<vmem>>, vector<16xf32>,
          %add3A_115 = arith.constant 1.000000e+00 : f32
          %add3A_116 = vector.broadcast %add3A_115 : f32 to vector<16xf32>
          %add3A_117 = arith.addf %get3A_114, %add3A_116 : vector<16xf32>
          %mul3A_118 = arith.constant 5.120000e+02 : f32
          %mul3A_119 = vector.broadcast %mul3A_118 : f32 to vector<16xf32>
          %mul3A_120 = arith.mulf %add3A_117, %mul3A_119 : vector<16xf32>
          %sub3A = arith.constant 1.000000e+00 : f32
          %sub3A_121 = vector.broadcast %sub3A : f32 to vector<16xf32>
          %sub3A_122 = arith.subf %mul3A_120, %sub3A_121 : vector<16xf32>
          %mul3A_123 = arith.constant 5.000000e-01 : f32
          %mul3A_124 = vector.broadcast %mul3A_123 : f32 to vector<16xf32>
          %mul3A_125 = arith.mulf %sub3A_122, %mul3A_124 : vector<16xf32>
          %convert_element_type3A = arith.fptosi %mul3A_125 : vector<16xf32> to vector<16xi32>
          %convert_element_type3A_126 = arith.sitofp %convert_element_type3A : vector<16xi32> to vector<16xf32>
          %gt3A = arith.cmpf ogt, %convert_element_type3A_126, %mul3A_125 : vector<16xf32>
          %select_n3A = arith.select %gt3A, %broadcast_in_dim3A_3, %broadcast_in_dim3A_1 : vector<16xi1>, vector<16xi32>
          %sub3A_127 = arith.subi %convert_element_type3A, %select_n3A : vector<16xi32>
          %convert_element_type3A_128 = arith.sitofp %sub3A_127 : vector<16xi32> to vector<16xf32>
          %sub3A_129 = arith.subf %mul3A_125, %convert_element_type3A_128 : vector<16xf32>
          %add3A_130 = arith.addi %sub3A_127, %broadcast_in_dim3A_3 : vector<16xi32>
          %ge3A = arith.cmpi sge, %sub3A_127, %broadcast_in_dim3A_1 : vector<16xi32>
          %le3A = arith.cmpi sle, %sub3A_127, %broadcast_in_dim3A_5 : vector<16xi32>
          %sub3A_131 = arith.constant 1.000000e+00 : f32
          %sub3A_132 = vector.broadcast %sub3A_131 : f32 to vector<16xf32>
          %sub3A_133 = arith.subf %sub3A_132, %sub3A_129 : vector<16xf32>
          %select_n3A_134 = arith.select %le3A, %sub3A_133, %broadcast_in_dim3A_7 : vector<16xi1>, vector<16xf32>
          %select_n3A_135 = arith.select %ge3A, %select_n3A_134, %broadcast_in_dim3A_7 : vector<16xi1>, vector<16xf32>
          %ge3A_136 = arith.cmpi sge, %add3A_130, %broadcast_in_dim3A_1 : vector<16xi32>
          %le3A_137 = arith.cmpi sle, %add3A_130, %broadcast_in_dim3A_5 : vector<16xi32>
          %select_n3A_138 = arith.select %le3A_137, %sub3A_129, %broadcast_in_dim3A_7 : vector<16xi1>, vector<16xf32>
          %select_n3A_139 = arith.select %ge3A_136, %select_n3A_138, %broadcast_in_dim3A_7 : vector<16xi1>, vector<16xf32>
          %max3A = arith.maxsi %sub3A_127, %broadcast_in_dim3A_1 : vector<16xi32>
          %min3A = arith.minsi %max3A, %broadcast_in_dim3A_5 : vector<16xi32>
          %max3A_140 = arith.maxsi %add3A_130, %broadcast_in_dim3A_1 : vector<16xi32>
          %min3A_141 = arith.minsi %max3A_140, %broadcast_in_dim3A_5 : vector<16xi32>
          %get3A_142 = arith.index_cast %add3A_113 : i32 to index
          %get3A_143 = tpu.vector_load %arg10[%get3A_142] {strides = array<i32>} : memref<1024xf32, #tpu.memory_space<vmem>>, vector<16xf32>,
          %add3A_144 = arith.constant 1.000000e+00 : f32
          %add3A_145 = vector.broadcast %add3A_144 : f32 to vector<16xf32>
          %add3A_146 = arith.addf %get3A_143, %add3A_145 : vector<16xf32>
          %mul3A_147 = arith.constant 5.120000e+02 : f32
          %mul3A_148 = vector.broadcast %mul3A_147 : f32 to vector<16xf32>
          %mul3A_149 = arith.mulf %add3A_146, %mul3A_148 : vector<16xf32>
          %sub3A_150 = arith.constant 1.000000e+00 : f32
          %sub3A_151 = vector.broadcast %sub3A_150 : f32 to vector<16xf32>
          %sub3A_152 = arith.subf %mul3A_149, %sub3A_151 : vector<16xf32>
          %mul3A_153 = arith.constant 5.000000e-01 : f32
          %mul3A_154 = vector.broadcast %mul3A_153 : f32 to vector<16xf32>
          %mul3A_155 = arith.mulf %sub3A_152, %mul3A_154 : vector<16xf32>
          %convert_element_type3A_156 = arith.fptosi %mul3A_155 : vector<16xf32> to vector<16xi32>
          %convert_element_type3A_157 = arith.sitofp %convert_element_type3A_156 : vector<16xi32> to vector<16xf32>
          %gt3A_158 = arith.cmpf ogt, %convert_element_type3A_157, %mul3A_155 : vector<16xf32>
          %select_n3A_159 = arith.select %gt3A_158, %broadcast_in_dim3A_3, %broadcast_in_dim3A_1 : vector<16xi1>, vector<16xi32>
          %sub3A_160 = arith.subi %convert_element_type3A_156, %select_n3A_159 : vector<16xi32>
          %convert_element_type3A_161 = arith.sitofp %sub3A_160 : vector<16xi32> to vector<16xf32>
          %sub3A_162 = arith.subf %mul3A_155, %convert_element_type3A_161 : vector<16xf32>
          %add3A_163 = arith.addi %sub3A_160, %broadcast_in_dim3A_3 : vector<16xi32>
          %ge3A_164 = arith.cmpi sge, %sub3A_160, %broadcast_in_dim3A_1 : vector<16xi32>
          %le3A_165 = arith.cmpi sle, %sub3A_160, %broadcast_in_dim3A_5 : vector<16xi32>
          %sub3A_166 = arith.constant 1.000000e+00 : f32
          %sub3A_167 = vector.broadcast %sub3A_166 : f32 to vector<16xf32>
          %sub3A_168 = arith.subf %sub3A_167, %sub3A_162 : vector<16xf32>
          %select_n3A_169 = arith.select %le3A_165, %sub3A_168, %broadcast_in_dim3A_7 : vector<16xi1>, vector<16xf32>
          %select_n3A_170 = arith.select %ge3A_164, %select_n3A_169, %broadcast_in_dim3A_7 : vector<16xi1>, vector<16xf32>
          %ge3A_171 = arith.cmpi sge, %add3A_163, %broadcast_in_dim3A_1 : vector<16xi32>
          %le3A_172 = arith.cmpi sle, %add3A_163, %broadcast_in_dim3A_5 : vector<16xi32>
          %select_n3A_173 = arith.select %le3A_172, %sub3A_162, %broadcast_in_dim3A_7 : vector<16xi1>, vector<16xf32>
          %select_n3A_174 = arith.select %ge3A_171, %select_n3A_173, %broadcast_in_dim3A_7 : vector<16xi1>, vector<16xf32>
          %max3A_175 = arith.maxsi %sub3A_160, %broadcast_in_dim3A_1 : vector<16xi32>
          %min3A_176 = arith.minsi %max3A_175, %broadcast_in_dim3A_5 : vector<16xi32>
          %max3A_177 = arith.maxsi %add3A_163, %broadcast_in_dim3A_1 : vector<16xi32>
          %min3A_178 = arith.minsi %max3A_177, %broadcast_in_dim3A_5 : vector<16xi32>
          %get3A_179 = arith.index_cast %add3A_113 : i32 to index
          %get3A_180 = tpu.vector_load %arg11[%get3A_179] {strides = array<i32>} : memref<1024xf32, #tpu.memory_space<vmem>>, vector<16xf32>,
          %add3A_181 = arith.constant 1.000000e+00 : f32
          %add3A_182 = vector.broadcast %add3A_181 : f32 to vector<16xf32>
          %add3A_183 = arith.addf %get3A_180, %add3A_182 : vector<16xf32>
          %mul3A_184 = arith.constant 5.120000e+02 : f32
          %mul3A_185 = vector.broadcast %mul3A_184 : f32 to vector<16xf32>
          %mul3A_186 = arith.mulf %add3A_183, %mul3A_185 : vector<16xf32>
          %sub3A_187 = arith.constant 1.000000e+00 : f32
          %sub3A_188 = vector.broadcast %sub3A_187 : f32 to vector<16xf32>
          %sub3A_189 = arith.subf %mul3A_186, %sub3A_188 : vector<16xf32>
          %mul3A_190 = arith.constant 5.000000e-01 : f32
          %mul3A_191 = vector.broadcast %mul3A_190 : f32 to vector<16xf32>
          %mul3A_192 = arith.mulf %sub3A_189, %mul3A_191 : vector<16xf32>
          %convert_element_type3A_193 = arith.fptosi %mul3A_192 : vector<16xf32> to vector<16xi32>
          %convert_element_type3A_194 = arith.sitofp %convert_element_type3A_193 : vector<16xi32> to vector<16xf32>
          %gt3A_195 = arith.cmpf ogt, %convert_element_type3A_194, %mul3A_192 : vector<16xf32>
          %select_n3A_196 = arith.select %gt3A_195, %broadcast_in_dim3A_3, %broadcast_in_dim3A_1 : vector<16xi1>, vector<16xi32>
          %sub3A_197 = arith.subi %convert_element_type3A_193, %select_n3A_196 : vector<16xi32>
          %convert_element_type3A_198 = arith.sitofp %sub3A_197 : vector<16xi32> to vector<16xf32>
          %sub3A_199 = arith.subf %mul3A_192, %convert_element_type3A_198 : vector<16xf32>
          %add3A_200 = arith.addi %sub3A_197, %broadcast_in_dim3A_3 : vector<16xi32>
          %ge3A_201 = arith.cmpi sge, %sub3A_197, %broadcast_in_dim3A_1 : vector<16xi32>
          %le3A_202 = arith.cmpi sle, %sub3A_197, %broadcast_in_dim3A_5 : vector<16xi32>
          %sub3A_203 = arith.constant 1.000000e+00 : f32
          %sub3A_204 = vector.broadcast %sub3A_203 : f32 to vector<16xf32>
          %sub3A_205 = arith.subf %sub3A_204, %sub3A_199 : vector<16xf32>
          %select_n3A_206 = arith.select %le3A_202, %sub3A_205, %broadcast_in_dim3A_7 : vector<16xi1>, vector<16xf32>
          %select_n3A_207 = arith.select %ge3A_201, %select_n3A_206, %broadcast_in_dim3A_7 : vector<16xi1>, vector<16xf32>
          %ge3A_208 = arith.cmpi sge, %add3A_200, %broadcast_in_dim3A_1 : vector<16xi32>
          %le3A_209 = arith.cmpi sle, %add3A_200, %broadcast_in_dim3A_5 : vector<16xi32>
          %select_n3A_210 = arith.select %le3A_209, %sub3A_199, %broadcast_in_dim3A_7 : vector<16xi1>, vector<16xf32>
          %select_n3A_211 = arith.select %ge3A_208, %select_n3A_210, %broadcast_in_dim3A_7 : vector<16xi1>, vector<16xf32>
          %max3A_212 = arith.maxsi %sub3A_197, %broadcast_in_dim3A_1 : vector<16xi32>
          %min3A_213 = arith.minsi %max3A_212, %broadcast_in_dim3A_5 : vector<16xi32>
          %max3A_214 = arith.maxsi %add3A_200, %broadcast_in_dim3A_1 : vector<16xi32>
          %min3A_215 = arith.minsi %max3A_214, %broadcast_in_dim3A_5 : vector<16xi32>
          %mul3A_216 = arith.constant 512 : i32
          %mul3A_217 = vector.broadcast %mul3A_216 : i32 to vector<16xi32>
          %mul3A_218 = arith.muli %min3A_176, %mul3A_217 : vector<16xi32>
          %mul3A_219 = arith.constant 512 : i32
          %mul3A_220 = vector.broadcast %mul3A_219 : i32 to vector<16xi32>
          %mul3A_221 = arith.muli %min3A_178, %mul3A_220 : vector<16xi32>
          %mul3A_222 = arith.constant 512 : i32
          %mul3A_223 = vector.broadcast %mul3A_222 : i32 to vector<16xi32>
          %mul3A_224 = arith.muli %min3A_213, %mul3A_223 : vector<16xi32>
          %mul3A_225 = arith.constant 512 : i32
          %mul3A_226 = vector.broadcast %mul3A_225 : i32 to vector<16xi32>
          %mul3A_227 = arith.muli %min3A_215, %mul3A_226 : vector<16xi32>
          %add3A_228 = arith.addi %mul3A_218, %min3A : vector<16xi32>
          %mul3A_229 = arith.mulf %select_n3A_170, %select_n3A_135 : vector<16xf32>
          %add3A_230 = arith.addi %mul3A_218, %min3A_141 : vector<16xi32>
          %mul3A_231 = arith.mulf %select_n3A_170, %select_n3A_139 : vector<16xf32>
          %add3A_232 = arith.addi %mul3A_221, %min3A : vector<16xi32>
          %mul3A_233 = arith.mulf %select_n3A_174, %select_n3A_135 : vector<16xf32>
          %add3A_234 = arith.addi %mul3A_221, %min3A_141 : vector<16xi32>
          %mul3A_235 = arith.mulf %select_n3A_174, %select_n3A_139 : vector<16xf32>
          %add3A_236 = arith.addi %mul3A_224, %min3A : vector<16xi32>
          %mul3A_237 = arith.mulf %select_n3A_207, %select_n3A_135 : vector<16xf32>
          %add3A_238 = arith.addi %mul3A_224, %min3A_141 : vector<16xi32>
          %mul3A_239 = arith.mulf %select_n3A_207, %select_n3A_139 : vector<16xf32>
          %add3A_240 = arith.addi %mul3A_227, %min3A : vector<16xi32>
          %mul3A_241 = arith.mulf %select_n3A_211, %select_n3A_135 : vector<16xf32>
          %add3A_242 = arith.addi %mul3A_227, %min3A_141 : vector<16xi32>
          %mul3A_243 = arith.mulf %select_n3A_211, %select_n3A_139 : vector<16xf32>
          %add3A_244 = arith.addi %mul3A_224, %min3A_176 : vector<16xi32>
          %mul3A_245 = arith.mulf %select_n3A_207, %select_n3A_170 : vector<16xf32>
          %add3A_246 = arith.addi %mul3A_224, %min3A_178 : vector<16xi32>
          %mul3A_247 = arith.mulf %select_n3A_207, %select_n3A_174 : vector<16xf32>
          %add3A_248 = arith.addi %mul3A_227, %min3A_176 : vector<16xi32>
          %mul3A_249 = arith.mulf %select_n3A_211, %select_n3A_170 : vector<16xf32>
          %add3A_250 = arith.addi %mul3A_227, %min3A_178 : vector<16xi32>
          %mul3A_251 = arith.mulf %select_n3A_211, %select_n3A_174 : vector<16xf32>
          %mul3A_252 = arith.constant 16 : i32
          %mul3A_253 = arith.muli %scan3A_110, %mul3A_252 : i32
          %swap3A = arith.index_cast %mul3A_253 : i32 to index
          %swap3A_254 = tpu.vector_load %arg15[%swap3A] {strides = array<i32>} : memref<128xi32, #tpu.memory_space<vmem>>, vector<16xi32>,
          tpu.vector_store %arg15[%swap3A], %add3A_228 {strides = array<i32>} : memref<128xi32, #tpu.memory_space<vmem>>, vector<16xi32>,
          %swap3A_255 = arith.constant 0 : i32
          %swap3A_256 = arith.index_cast %swap3A_255 : i32 to index
          %swap3A_257 = arith.index_cast %mul3A_253 : i32 to index
          %swap3A_258 = tpu.vector_load %arg12[%swap3A_256, %swap3A_257] {strides = array<i32>} : memref<12x128xf32, #tpu.memory_space<vmem>>, vector<16xf32>,
          tpu.vector_store %arg12[%swap3A_256, %swap3A_257], %mul3A_229 {strides = array<i32>} : memref<12x128xf32, #tpu.memory_space<vmem>>, vector<16xf32>,
          %swap3A_259 = arith.index_cast %mul3A_253 : i32 to index
          %swap3A_260 = tpu.vector_load %arg16[%swap3A_259] {strides = array<i32>} : memref<128xi32, #tpu.memory_space<vmem>>, vector<16xi32>,
          tpu.vector_store %arg16[%swap3A_259], %add3A_230 {strides = array<i32>} : memref<128xi32, #tpu.memory_space<vmem>>, vector<16xi32>,
          %swap3A_261 = arith.constant 1 : i32
          %swap3A_262 = arith.index_cast %swap3A_261 : i32 to index
          %swap3A_263 = arith.index_cast %mul3A_253 : i32 to index
          %swap3A_264 = tpu.vector_load %arg12[%swap3A_262, %swap3A_263] {strides = array<i32>} : memref<12x128xf32, #tpu.memory_space<vmem>>, vector<16xf32>,
          tpu.vector_store %arg12[%swap3A_262, %swap3A_263], %mul3A_231 {strides = array<i32>} : memref<12x128xf32, #tpu.memory_space<vmem>>, vector<16xf32>,
          %swap3A_265 = arith.index_cast %mul3A_253 : i32 to index
          %swap3A_266 = tpu.vector_load %arg17[%swap3A_265] {strides = array<i32>} : memref<128xi32, #tpu.memory_space<vmem>>, vector<16xi32>,
          tpu.vector_store %arg17[%swap3A_265], %add3A_232 {strides = array<i32>} : memref<128xi32, #tpu.memory_space<vmem>>, vector<16xi32>,
          %swap3A_267 = arith.constant 2 : i32
          %swap3A_268 = arith.index_cast %swap3A_267 : i32 to index
          %swap3A_269 = arith.index_cast %mul3A_253 : i32 to index
          %swap3A_270 = tpu.vector_load %arg12[%swap3A_268, %swap3A_269] {strides = array<i32>} : memref<12x128xf32, #tpu.memory_space<vmem>>, vector<16xf32>,
          tpu.vector_store %arg12[%swap3A_268, %swap3A_269], %mul3A_233 {strides = array<i32>} : memref<12x128xf32, #tpu.memory_space<vmem>>, vector<16xf32>,
          %swap3A_271 = arith.index_cast %mul3A_253 : i32 to index
          %swap3A_272 = tpu.vector_load %arg18[%swap3A_271] {strides = array<i32>} : memref<128xi32, #tpu.memory_space<vmem>>, vector<16xi32>,
          tpu.vector_store %arg18[%swap3A_271], %add3A_234 {strides = array<i32>} : memref<128xi32, #tpu.memory_space<vmem>>, vector<16xi32>,
          %swap3A_273 = arith.constant 3 : i32
          %swap3A_274 = arith.index_cast %swap3A_273 : i32 to index
          %swap3A_275 = arith.index_cast %mul3A_253 : i32 to index
          %swap3A_276 = tpu.vector_load %arg12[%swap3A_274, %swap3A_275] {strides = array<i32>} : memref<12x128xf32, #tpu.memory_space<vmem>>, vector<16xf32>,
          tpu.vector_store %arg12[%swap3A_274, %swap3A_275], %mul3A_235 {strides = array<i32>} : memref<12x128xf32, #tpu.memory_space<vmem>>, vector<16xf32>,
          %swap3A_277 = arith.index_cast %mul3A_253 : i32 to index
          %swap3A_278 = tpu.vector_load %arg19[%swap3A_277] {strides = array<i32>} : memref<128xi32, #tpu.memory_space<vmem>>, vector<16xi32>,
          tpu.vector_store %arg19[%swap3A_277], %add3A_236 {strides = array<i32>} : memref<128xi32, #tpu.memory_space<vmem>>, vector<16xi32>,
          %swap3A_279 = arith.constant 4 : i32
          %swap3A_280 = arith.index_cast %swap3A_279 : i32 to index
          %swap3A_281 = arith.index_cast %mul3A_253 : i32 to index
          %swap3A_282 = tpu.vector_load %arg12[%swap3A_280, %swap3A_281] {strides = array<i32>} : memref<12x128xf32, #tpu.memory_space<vmem>>, vector<16xf32>,
          tpu.vector_store %arg12[%swap3A_280, %swap3A_281], %mul3A_237 {strides = array<i32>} : memref<12x128xf32, #tpu.memory_space<vmem>>, vector<16xf32>,
          %swap3A_283 = arith.index_cast %mul3A_253 : i32 to index
          %swap3A_284 = tpu.vector_load %arg20[%swap3A_283] {strides = array<i32>} : memref<128xi32, #tpu.memory_space<vmem>>, vector<16xi32>,
          tpu.vector_store %arg20[%swap3A_283], %add3A_238 {strides = array<i32>} : memref<128xi32, #tpu.memory_space<vmem>>, vector<16xi32>,
          %swap3A_285 = arith.constant 5 : i32
          %swap3A_286 = arith.index_cast %swap3A_285 : i32 to index
          %swap3A_287 = arith.index_cast %mul3A_253 : i32 to index
          %swap3A_288 = tpu.vector_load %arg12[%swap3A_286, %swap3A_287] {strides = array<i32>} : memref<12x128xf32, #tpu.memory_space<vmem>>, vector<16xf32>,
          tpu.vector_store %arg12[%swap3A_286, %swap3A_287], %mul3A_239 {strides = array<i32>} : memref<12x128xf32, #tpu.memory_space<vmem>>, vector<16xf32>,
          %swap3A_289 = arith.index_cast %mul3A_253 : i32 to index
          %swap3A_290 = tpu.vector_load %arg21[%swap3A_289] {strides = array<i32>} : memref<128xi32, #tpu.memory_space<vmem>>, vector<16xi32>,
          tpu.vector_store %arg21[%swap3A_289], %add3A_240 {strides = array<i32>} : memref<128xi32, #tpu.memory_space<vmem>>, vector<16xi32>,
          %swap3A_291 = arith.constant 6 : i32
          %swap3A_292 = arith.index_cast %swap3A_291 : i32 to index
          %swap3A_293 = arith.index_cast %mul3A_253 : i32 to index
          %swap3A_294 = tpu.vector_load %arg12[%swap3A_292, %swap3A_293] {strides = array<i32>} : memref<12x128xf32, #tpu.memory_space<vmem>>, vector<16xf32>,
          tpu.vector_store %arg12[%swap3A_292, %swap3A_293], %mul3A_241 {strides = array<i32>} : memref<12x128xf32, #tpu.memory_space<vmem>>, vector<16xf32>,
          %swap3A_295 = arith.index_cast %mul3A_253 : i32 to index
          %swap3A_296 = tpu.vector_load %arg22[%swap3A_295] {strides = array<i32>} : memref<128xi32, #tpu.memory_space<vmem>>, vector<16xi32>,
          tpu.vector_store %arg22[%swap3A_295], %add3A_242 {strides = array<i32>} : memref<128xi32, #tpu.memory_space<vmem>>, vector<16xi32>,
          %swap3A_297 = arith.constant 7 : i32
          %swap3A_298 = arith.index_cast %swap3A_297 : i32 to index
          %swap3A_299 = arith.index_cast %mul3A_253 : i32 to index
          %swap3A_300 = tpu.vector_load %arg12[%swap3A_298, %swap3A_299] {strides = array<i32>} : memref<12x128xf32, #tpu.memory_space<vmem>>, vector<16xf32>,
          tpu.vector_store %arg12[%swap3A_298, %swap3A_299], %mul3A_243 {strides = array<i32>} : memref<12x128xf32, #tpu.memory_space<vmem>>, vector<16xf32>,
          %swap3A_301 = arith.index_cast %mul3A_253 : i32 to index
          %swap3A_302 = tpu.vector_load %arg23[%swap3A_301] {strides = array<i32>} : memref<128xi32, #tpu.memory_space<vmem>>, vector<16xi32>,
          tpu.vector_store %arg23[%swap3A_301], %add3A_244 {strides = array<i32>} : memref<128xi32, #tpu.memory_space<vmem>>, vector<16xi32>,
          %swap3A_303 = arith.constant 8 : i32
          %swap3A_304 = arith.index_cast %swap3A_303 : i32 to index
          %swap3A_305 = arith.index_cast %mul3A_253 : i32 to index
          %swap3A_306 = tpu.vector_load %arg12[%swap3A_304, %swap3A_305] {strides = array<i32>} : memref<12x128xf32, #tpu.memory_space<vmem>>, vector<16xf32>,
          tpu.vector_store %arg12[%swap3A_304, %swap3A_305], %mul3A_245 {strides = array<i32>} : memref<12x128xf32, #tpu.memory_space<vmem>>, vector<16xf32>,
          %swap3A_307 = arith.index_cast %mul3A_253 : i32 to index
          %swap3A_308 = tpu.vector_load %arg24[%swap3A_307] {strides = array<i32>} : memref<128xi32, #tpu.memory_space<vmem>>, vector<16xi32>,
          tpu.vector_store %arg24[%swap3A_307], %add3A_246 {strides = array<i32>} : memref<128xi32, #tpu.memory_space<vmem>>, vector<16xi32>,
          %swap3A_309 = arith.constant 9 : i32
          %swap3A_310 = arith.index_cast %swap3A_309 : i32 to index
          %swap3A_311 = arith.index_cast %mul3A_253 : i32 to index
          %swap3A_312 = tpu.vector_load %arg12[%swap3A_310, %swap3A_311] {strides = array<i32>} : memref<12x128xf32, #tpu.memory_space<vmem>>, vector<16xf32>,
          tpu.vector_store %arg12[%swap3A_310, %swap3A_311], %mul3A_247 {strides = array<i32>} : memref<12x128xf32, #tpu.memory_space<vmem>>, vector<16xf32>,
          %swap3A_313 = arith.index_cast %mul3A_253 : i32 to index
          %swap3A_314 = tpu.vector_load %arg25[%swap3A_313] {strides = array<i32>} : memref<128xi32, #tpu.memory_space<vmem>>, vector<16xi32>,
          tpu.vector_store %arg25[%swap3A_313], %add3A_248 {strides = array<i32>} : memref<128xi32, #tpu.memory_space<vmem>>, vector<16xi32>,
          %swap3A_315 = arith.constant 10 : i32
          %swap3A_316 = arith.index_cast %swap3A_315 : i32 to index
          %swap3A_317 = arith.index_cast %mul3A_253 : i32 to index
          %swap3A_318 = tpu.vector_load %arg12[%swap3A_316, %swap3A_317] {strides = array<i32>} : memref<12x128xf32, #tpu.memory_space<vmem>>, vector<16xf32>,
          tpu.vector_store %arg12[%swap3A_316, %swap3A_317], %mul3A_249 {strides = array<i32>} : memref<12x128xf32, #tpu.memory_space<vmem>>, vector<16xf32>,
          %swap3A_319 = arith.index_cast %mul3A_253 : i32 to index
          %swap3A_320 = tpu.vector_load %arg26[%swap3A_319] {strides = array<i32>} : memref<128xi32, #tpu.memory_space<vmem>>, vector<16xi32>,
          tpu.vector_store %arg26[%swap3A_319], %add3A_250 {strides = array<i32>} : memref<128xi32, #tpu.memory_space<vmem>>, vector<16xi32>,
          %swap3A_321 = arith.constant 11 : i32
          %swap3A_322 = arith.index_cast %swap3A_321 : i32 to index
          %swap3A_323 = arith.index_cast %mul3A_253 : i32 to index
          %swap3A_324 = tpu.vector_load %arg12[%swap3A_322, %swap3A_323] {strides = array<i32>} : memref<12x128xf32, #tpu.memory_space<vmem>>, vector<16xf32>,
          tpu.vector_store %arg12[%swap3A_322, %swap3A_323], %mul3A_251 {strides = array<i32>} : memref<12x128xf32, #tpu.memory_space<vmem>>, vector<16xf32>,
        }
        %scan3A_33 = arith.constant 8 : i32
        %dma_start3A = arith.constant 0 : i32
        %dma_start3A_34 = arith.constant 0 : i32
        %dma_start3A_35 = tpu.memref_slice %arg5[%dma_start3A, %dma_start3A_34] : memref<262144x32xf32, #tpu.memory_space<hbm>> -> memref<262144x32xf32, #tpu.memory_space<hbm>>
        tpu.enqueue_indirect_dma source(%dma_start3A_35 : memref<262144x32xf32, #tpu.memory_space<hbm>>) target(%arg27 : memref<128x32xf32, #tpu.memory_space<vmem>>) offsets(%arg15 : memref<128xi32, #tpu.memory_space<vmem>>) semaphore(%arg14 : memref<!tpu.dma_semaphore, #tpu.memory_space<semaphore_mem>>)
        %dma_start3A_36 = arith.constant 0 : i32
        %dma_start3A_37 = arith.constant 0 : i32
        %dma_start3A_38 = tpu.memref_slice %arg5[%dma_start3A_36, %dma_start3A_37] : memref<262144x32xf32, #tpu.memory_space<hbm>> -> memref<262144x32xf32, #tpu.memory_space<hbm>>
        tpu.enqueue_indirect_dma source(%dma_start3A_38 : memref<262144x32xf32, #tpu.memory_space<hbm>>) target(%arg28 : memref<128x32xf32, #tpu.memory_space<vmem>>) offsets(%arg16 : memref<128xi32, #tpu.memory_space<vmem>>) semaphore(%arg14 : memref<!tpu.dma_semaphore, #tpu.memory_space<semaphore_mem>>)
        %dma_start3A_39 = arith.constant 0 : i32
        %dma_start3A_40 = arith.constant 0 : i32
        %dma_start3A_41 = tpu.memref_slice %arg5[%dma_start3A_39, %dma_start3A_40] : memref<262144x32xf32, #tpu.memory_space<hbm>> -> memref<262144x32xf32, #tpu.memory_space<hbm>>
        tpu.enqueue_indirect_dma source(%dma_start3A_41 : memref<262144x32xf32, #tpu.memory_space<hbm>>) target(%arg29 : memref<128x32xf32, #tpu.memory_space<vmem>>) offsets(%arg17 : memref<128xi32, #tpu.memory_space<vmem>>) semaphore(%arg14 : memref<!tpu.dma_semaphore, #tpu.memory_space<semaphore_mem>>)
        %dma_start3A_42 = arith.constant 0 : i32
        %dma_start3A_43 = arith.constant 0 : i32
        %dma_start3A_44 = tpu.memref_slice %arg5[%dma_start3A_42, %dma_start3A_43] : memref<262144x32xf32, #tpu.memory_space<hbm>> -> memref<262144x32xf32, #tpu.memory_space<hbm>>
        tpu.enqueue_indirect_dma source(%dma_start3A_44 : memref<262144x32xf32, #tpu.memory_space<hbm>>) target(%arg30 : memref<128x32xf32, #tpu.memory_space<vmem>>) offsets(%arg18 : memref<128xi32, #tpu.memory_space<vmem>>) semaphore(%arg14 : memref<!tpu.dma_semaphore, #tpu.memory_space<semaphore_mem>>)
        %dma_start3A_45 = arith.constant 0 : i32
        %dma_start3A_46 = arith.constant 0 : i32
        %dma_start3A_47 = tpu.memref_slice %arg6[%dma_start3A_45, %dma_start3A_46] : memref<262144x32xf32, #tpu.memory_space<hbm>> -> memref<262144x32xf32, #tpu.memory_space<hbm>>
        tpu.enqueue_indirect_dma source(%dma_start3A_47 : memref<262144x32xf32, #tpu.memory_space<hbm>>) target(%arg31 : memref<128x32xf32, #tpu.memory_space<vmem>>) offsets(%arg19 : memref<128xi32, #tpu.memory_space<vmem>>) semaphore(%arg14 : memref<!tpu.dma_semaphore, #tpu.memory_space<semaphore_mem>>)
        %dma_start3A_48 = arith.constant 0 : i32
        %dma_start3A_49 = arith.constant 0 : i32
        %dma_start3A_50 = tpu.memref_slice %arg6[%dma_start3A_48, %dma_start3A_49] : memref<262144x32xf32, #tpu.memory_space<hbm>> -> memref<262144x32xf32, #tpu.memory_space<hbm>>
        tpu.enqueue_indirect_dma source(%dma_start3A_50 : memref<262144x32xf32, #tpu.memory_space<hbm>>) target(%arg32 : memref<128x32xf32, #tpu.memory_space<vmem>>) offsets(%arg20 : memref<128xi32, #tpu.memory_space<vmem>>) semaphore(%arg14 : memref<!tpu.dma_semaphore, #tpu.memory_space<semaphore_mem>>)
        %dma_start3A_51 = arith.constant 0 : i32
        %dma_start3A_52 = arith.constant 0 : i32
        %dma_start3A_53 = tpu.memref_slice %arg6[%dma_start3A_51, %dma_start3A_52] : memref<262144x32xf32, #tpu.memory_space<hbm>> -> memref<262144x32xf32, #tpu.memory_space<hbm>>
        tpu.enqueue_indirect_dma source(%dma_start3A_53 : memref<262144x32xf32, #tpu.memory_space<hbm>>) target(%arg33 : memref<128x32xf32, #tpu.memory_space<vmem>>) offsets(%arg21 : memref<128xi32, #tpu.memory_space<vmem>>) semaphore(%arg14 : memref<!tpu.dma_semaphore, #tpu.memory_space<semaphore_mem>>)
        %dma_start3A_54 = arith.constant 0 : i32
        %dma_start3A_55 = arith.constant 0 : i32
        %dma_start3A_56 = tpu.memref_slice %arg6[%dma_start3A_54, %dma_start3A_55] : memref<262144x32xf32, #tpu.memory_space<hbm>> -> memref<262144x32xf32, #tpu.memory_space<hbm>>
        tpu.enqueue_indirect_dma source(%dma_start3A_56 : memref<262144x32xf32, #tpu.memory_space<hbm>>) target(%arg34 : memref<128x32xf32, #tpu.memory_space<vmem>>) offsets(%arg22 : memref<128xi32, #tpu.memory_space<vmem>>) semaphore(%arg14 : memref<!tpu.dma_semaphore, #tpu.memory_space<semaphore_mem>>)
        %dma_start3A_57 = arith.constant 0 : i32
        %dma_start3A_58 = arith.constant 0 : i32
        %dma_start3A_59 = tpu.memref_slice %arg7[%dma_start3A_57, %dma_start3A_58] : memref<262144x32xf32, #tpu.memory_space<hbm>> -> memref<262144x32xf32, #tpu.memory_space<hbm>>
        tpu.enqueue_indirect_dma source(%dma_start3A_59 : memref<262144x32xf32, #tpu.memory_space<hbm>>) target(%arg35 : memref<128x32xf32, #tpu.memory_space<vmem>>) offsets(%arg23 : memref<128xi32, #tpu.memory_space<vmem>>) semaphore(%arg14 : memref<!tpu.dma_semaphore, #tpu.memory_space<semaphore_mem>>)
        %dma_start3A_60 = arith.constant 0 : i32
        %dma_start3A_61 = arith.constant 0 : i32
        %dma_start3A_62 = tpu.memref_slice %arg7[%dma_start3A_60, %dma_start3A_61] : memref<262144x32xf32, #tpu.memory_space<hbm>> -> memref<262144x32xf32, #tpu.memory_space<hbm>>
        tpu.enqueue_indirect_dma source(%dma_start3A_62 : memref<262144x32xf32, #tpu.memory_space<hbm>>) target(%arg36 : memref<128x32xf32, #tpu.memory_space<vmem>>) offsets(%arg24 : memref<128xi32, #tpu.memory_space<vmem>>) semaphore(%arg14 : memref<!tpu.dma_semaphore, #tpu.memory_space<semaphore_mem>>)
        %dma_start3A_63 = arith.constant 0 : i32
        %dma_start3A_64 = arith.constant 0 : i32
        %dma_start3A_65 = tpu.memref_slice %arg7[%dma_start3A_63, %dma_start3A_64] : memref<262144x32xf32, #tpu.memory_space<hbm>> -> memref<262144x32xf32, #tpu.memory_space<hbm>>
        tpu.enqueue_indirect_dma source(%dma_start3A_65 : memref<262144x32xf32, #tpu.memory_space<hbm>>) target(%arg37 : memref<128x32xf32, #tpu.memory_space<vmem>>) offsets(%arg25 : memref<128xi32, #tpu.memory_space<vmem>>) semaphore(%arg14 : memref<!tpu.dma_semaphore, #tpu.memory_space<semaphore_mem>>)
        %dma_start3A_66 = arith.constant 0 : i32
        %dma_start3A_67 = arith.constant 0 : i32
        %dma_start3A_68 = tpu.memref_slice %arg7[%dma_start3A_66, %dma_start3A_67] : memref<262144x32xf32, #tpu.memory_space<hbm>> -> memref<262144x32xf32, #tpu.memory_space<hbm>>
        tpu.enqueue_indirect_dma source(%dma_start3A_68 : memref<262144x32xf32, #tpu.memory_space<hbm>>) target(%arg38 : memref<128x32xf32, #tpu.memory_space<vmem>>) offsets(%arg26 : memref<128xi32, #tpu.memory_space<vmem>>) semaphore(%arg14 : memref<!tpu.dma_semaphore, #tpu.memory_space<semaphore_mem>>)
        %dma_wait3A = arith.constant 0 : i32
        %dma_wait3A_69 = arith.constant 0 : i32
        %dma_wait3A_70 = tpu.memref_slice %arg5[%dma_wait3A, %dma_wait3A_69] : memref<262144x32xf32, #tpu.memory_space<hbm>> -> memref<262144x32xf32, #tpu.memory_space<hbm>>
        tpu.wait_indirect_dma semaphore(%arg14 : memref<!tpu.dma_semaphore, #tpu.memory_space<semaphore_mem>>) src(%dma_wait3A_70 : memref<262144x32xf32, #tpu.memory_space<hbm>>) dst(%arg27 : memref<128x32xf32, #tpu.memory_space<vmem>>)
        %dma_wait3A_71 = arith.constant 0 : i32
        %dma_wait3A_72 = arith.constant 0 : i32
        %dma_wait3A_73 = tpu.memref_slice %arg5[%dma_wait3A_71, %dma_wait3A_72] : memref<262144x32xf32, #tpu.memory_space<hbm>> -> memref<262144x32xf32, #tpu.memory_space<hbm>>
        tpu.wait_indirect_dma semaphore(%arg14 : memref<!tpu.dma_semaphore, #tpu.memory_space<semaphore_mem>>) src(%dma_wait3A_73 : memref<262144x32xf32, #tpu.memory_space<hbm>>) dst(%arg28 : memref<128x32xf32, #tpu.memory_space<vmem>>)
        %dma_wait3A_74 = arith.constant 0 : i32
        %dma_wait3A_75 = arith.constant 0 : i32
        %dma_wait3A_76 = tpu.memref_slice %arg5[%dma_wait3A_74, %dma_wait3A_75] : memref<262144x32xf32, #tpu.memory_space<hbm>> -> memref<262144x32xf32, #tpu.memory_space<hbm>>
        tpu.wait_indirect_dma semaphore(%arg14 : memref<!tpu.dma_semaphore, #tpu.memory_space<semaphore_mem>>) src(%dma_wait3A_76 : memref<262144x32xf32, #tpu.memory_space<hbm>>) dst(%arg29 : memref<128x32xf32, #tpu.memory_space<vmem>>)
        %dma_wait3A_77 = arith.constant 0 : i32
        %dma_wait3A_78 = arith.constant 0 : i32
        %dma_wait3A_79 = tpu.memref_slice %arg5[%dma_wait3A_77, %dma_wait3A_78] : memref<262144x32xf32, #tpu.memory_space<hbm>> -> memref<262144x32xf32, #tpu.memory_space<hbm>>
        tpu.wait_indirect_dma semaphore(%arg14 : memref<!tpu.dma_semaphore, #tpu.memory_space<semaphore_mem>>) src(%dma_wait3A_79 : memref<262144x32xf32, #tpu.memory_space<hbm>>) dst(%arg30 : memref<128x32xf32, #tpu.memory_space<vmem>>)
        %dma_wait3A_80 = arith.constant 0 : i32
        %dma_wait3A_81 = arith.constant 0 : i32
        %dma_wait3A_82 = tpu.memref_slice %arg6[%dma_wait3A_80, %dma_wait3A_81] : memref<262144x32xf32, #tpu.memory_space<hbm>> -> memref<262144x32xf32, #tpu.memory_space<hbm>>
        tpu.wait_indirect_dma semaphore(%arg14 : memref<!tpu.dma_semaphore, #tpu.memory_space<semaphore_mem>>) src(%dma_wait3A_82 : memref<262144x32xf32, #tpu.memory_space<hbm>>) dst(%arg31 : memref<128x32xf32, #tpu.memory_space<vmem>>)
        %dma_wait3A_83 = arith.constant 0 : i32
        %dma_wait3A_84 = arith.constant 0 : i32
        %dma_wait3A_85 = tpu.memref_slice %arg6[%dma_wait3A_83, %dma_wait3A_84] : memref<262144x32xf32, #tpu.memory_space<hbm>> -> memref<262144x32xf32, #tpu.memory_space<hbm>>
        tpu.wait_indirect_dma semaphore(%arg14 : memref<!tpu.dma_semaphore, #tpu.memory_space<semaphore_mem>>) src(%dma_wait3A_85 : memref<262144x32xf32, #tpu.memory_space<hbm>>) dst(%arg32 : memref<128x32xf32, #tpu.memory_space<vmem>>)
        %dma_wait3A_86 = arith.constant 0 : i32
        %dma_wait3A_87 = arith.constant 0 : i32
        %dma_wait3A_88 = tpu.memref_slice %arg6[%dma_wait3A_86, %dma_wait3A_87] : memref<262144x32xf32, #tpu.memory_space<hbm>> -> memref<262144x32xf32, #tpu.memory_space<hbm>>
        tpu.wait_indirect_dma semaphore(%arg14 : memref<!tpu.dma_semaphore, #tpu.memory_space<semaphore_mem>>) src(%dma_wait3A_88 : memref<262144x32xf32, #tpu.memory_space<hbm>>) dst(%arg33 : memref<128x32xf32, #tpu.memory_space<vmem>>)
        %dma_wait3A_89 = arith.constant 0 : i32
        %dma_wait3A_90 = arith.constant 0 : i32
        %dma_wait3A_91 = tpu.memref_slice %arg6[%dma_wait3A_89, %dma_wait3A_90] : memref<262144x32xf32, #tpu.memory_space<hbm>> -> memref<262144x32xf32, #tpu.memory_space<hbm>>
        tpu.wait_indirect_dma semaphore(%arg14 : memref<!tpu.dma_semaphore, #tpu.memory_space<semaphore_mem>>) src(%dma_wait3A_91 : memref<262144x32xf32, #tpu.memory_space<hbm>>) dst(%arg34 : memref<128x32xf32, #tpu.memory_space<vmem>>)
        %dma_wait3A_92 = arith.constant 0 : i32
        %dma_wait3A_93 = arith.constant 0 : i32
        %dma_wait3A_94 = tpu.memref_slice %arg7[%dma_wait3A_92, %dma_wait3A_93] : memref<262144x32xf32, #tpu.memory_space<hbm>> -> memref<262144x32xf32, #tpu.memory_space<hbm>>
        tpu.wait_indirect_dma semaphore(%arg14 : memref<!tpu.dma_semaphore, #tpu.memory_space<semaphore_mem>>) src(%dma_wait3A_94 : memref<262144x32xf32, #tpu.memory_space<hbm>>) dst(%arg35 : memref<128x32xf32, #tpu.memory_space<vmem>>)
        %dma_wait3A_95 = arith.constant 0 : i32
        %dma_wait3A_96 = arith.constant 0 : i32
        %dma_wait3A_97 = tpu.memref_slice %arg7[%dma_wait3A_95, %dma_wait3A_96] : memref<262144x32xf32, #tpu.memory_space<hbm>> -> memref<262144x32xf32, #tpu.memory_space<hbm>>
        tpu.wait_indirect_dma semaphore(%arg14 : memref<!tpu.dma_semaphore, #tpu.memory_space<semaphore_mem>>) src(%dma_wait3A_97 : memref<262144x32xf32, #tpu.memory_space<hbm>>) dst(%arg36 : memref<128x32xf32, #tpu.memory_space<vmem>>)
        %dma_wait3A_98 = arith.constant 0 : i32
        %dma_wait3A_99 = arith.constant 0 : i32
        %dma_wait3A_100 = tpu.memref_slice %arg7[%dma_wait3A_98, %dma_wait3A_99] : memref<262144x32xf32, #tpu.memory_space<hbm>> -> memref<262144x32xf32, #tpu.memory_space<hbm>>
        tpu.wait_indirect_dma semaphore(%arg14 : memref<!tpu.dma_semaphore, #tpu.memory_space<semaphore_mem>>) src(%dma_wait3A_100 : memref<262144x32xf32, #tpu.memory_space<hbm>>) dst(%arg37 : memref<128x32xf32, #tpu.memory_space<vmem>>)
        %dma_wait3A_101 = arith.constant 0 : i32
        %dma_wait3A_102 = arith.constant 0 : i32
        %dma_wait3A_103 = tpu.memref_slice %arg7[%dma_wait3A_101, %dma_wait3A_102] : memref<262144x32xf32, #tpu.memory_space<hbm>> -> memref<262144x32xf32, #tpu.memory_space<hbm>>
        tpu.wait_indirect_dma semaphore(%arg14 : memref<!tpu.dma_semaphore, #tpu.memory_space<semaphore_mem>>) src(%dma_wait3A_103 : memref<262144x32xf32, #tpu.memory_space<hbm>>) dst(%arg38 : memref<128x32xf32, #tpu.memory_space<vmem>>)
        %scan3A_104 = arith.constant 0 : i32
        %scan3A_105 = arith.constant 8 : i32
        %scan3A_106 = arith.addi %scan3A_104, %scan3A_105 : i32
        %scan3A_107 = arith.constant 1 : i32
        %scan3A_108 = scf.for %scan3A_110 = %scan3A_104 to %scan3A_106 step %scan3A_107 iter_args(%scan3A_111 = %iota3A) -> (vector<16xi32>)  : i32 {
          %mul3A_112 = arith.constant 16 : i32
          %mul3A_113 = arith.muli %scan3A_110, %mul3A_112 : i32
          %get3A = arith.constant 0 : i32
          %get3A_114 = arith.index_cast %get3A : i32 to index
          %get3A_115 = arith.index_cast %mul3A_113 : i32 to index
          %get3A_116 = tpu.vector_load %arg12[%get3A_114, %get3A_115] {strides = array<i32>} : memref<12x128xf32, #tpu.memory_space<vmem>>, vector<16xf32>,
          %get3A_117 = arith.constant 1 : i32
          %get3A_118 = arith.index_cast %get3A_117 : i32 to index
          %get3A_119 = arith.index_cast %mul3A_113 : i32 to index
          %get3A_120 = tpu.vector_load %arg12[%get3A_118, %get3A_119] {strides = array<i32>} : memref<12x128xf32, #tpu.memory_space<vmem>>, vector<16xf32>,
          %get3A_121 = arith.constant 2 : i32
          %get3A_122 = arith.index_cast %get3A_121 : i32 to index
          %get3A_123 = arith.index_cast %mul3A_113 : i32 to index
          %get3A_124 = tpu.vector_load %arg12[%get3A_122, %get3A_123] {strides = array<i32>} : memref<12x128xf32, #tpu.memory_space<vmem>>, vector<16xf32>,
          %get3A_125 = arith.constant 3 : i32
          %get3A_126 = arith.index_cast %get3A_125 : i32 to index
          %get3A_127 = arith.index_cast %mul3A_113 : i32 to index
          %get3A_128 = tpu.vector_load %arg12[%get3A_126, %get3A_127] {strides = array<i32>} : memref<12x128xf32, #tpu.memory_space<vmem>>, vector<16xf32>,
          %get3A_129 = arith.constant 4 : i32
          %get3A_130 = arith.index_cast %get3A_129 : i32 to index
          %get3A_131 = arith.index_cast %mul3A_113 : i32 to index
          %get3A_132 = tpu.vector_load %arg12[%get3A_130, %get3A_131] {strides = array<i32>} : memref<12x128xf32, #tpu.memory_space<vmem>>, vector<16xf32>,
          %get3A_133 = arith.constant 5 : i32
          %get3A_134 = arith.index_cast %get3A_133 : i32 to index
          %get3A_135 = arith.index_cast %mul3A_113 : i32 to index
          %get3A_136 = tpu.vector_load %arg12[%get3A_134, %get3A_135] {strides = array<i32>} : memref<12x128xf32, #tpu.memory_space<vmem>>, vector<16xf32>,
          %get3A_137 = arith.constant 6 : i32
          %get3A_138 = arith.index_cast %get3A_137 : i32 to index
          %get3A_139 = arith.index_cast %mul3A_113 : i32 to index
          %get3A_140 = tpu.vector_load %arg12[%get3A_138, %get3A_139] {strides = array<i32>} : memref<12x128xf32, #tpu.memory_space<vmem>>, vector<16xf32>,
          %get3A_141 = arith.constant 7 : i32
          %get3A_142 = arith.index_cast %get3A_141 : i32 to index
          %get3A_143 = arith.index_cast %mul3A_113 : i32 to index
          %get3A_144 = tpu.vector_load %arg12[%get3A_142, %get3A_143] {strides = array<i32>} : memref<12x128xf32, #tpu.memory_space<vmem>>, vector<16xf32>,
          %get3A_145 = arith.constant 8 : i32
          %get3A_146 = arith.index_cast %get3A_145 : i32 to index
          %get3A_147 = arith.index_cast %mul3A_113 : i32 to index
          %get3A_148 = tpu.vector_load %arg12[%get3A_146, %get3A_147] {strides = array<i32>} : memref<12x128xf32, #tpu.memory_space<vmem>>, vector<16xf32>,
          %get3A_149 = arith.constant 9 : i32
          %get3A_150 = arith.index_cast %get3A_149 : i32 to index
          %get3A_151 = arith.index_cast %mul3A_113 : i32 to index
          %get3A_152 = tpu.vector_load %arg12[%get3A_150, %get3A_151] {strides = array<i32>} : memref<12x128xf32, #tpu.memory_space<vmem>>, vector<16xf32>,
          %get3A_153 = arith.constant 10 : i32
          %get3A_154 = arith.index_cast %get3A_153 : i32 to index
          %get3A_155 = arith.index_cast %mul3A_113 : i32 to index
          %get3A_156 = tpu.vector_load %arg12[%get3A_154, %get3A_155] {strides = array<i32>} : memref<12x128xf32, #tpu.memory_space<vmem>>, vector<16xf32>,
          %get3A_157 = arith.constant 11 : i32
          %get3A_158 = arith.index_cast %get3A_157 : i32 to index
          %get3A_159 = arith.index_cast %mul3A_113 : i32 to index
          %get3A_160 = tpu.vector_load %arg12[%get3A_158, %get3A_159] {strides = array<i32>} : memref<12x128xf32, #tpu.memory_space<vmem>>, vector<16xf32>,
          %scan3A_161 = arith.constant 0 : i32
          %scan3A_162 = arith.constant 32 : i32
          %scan3A_163 = arith.addi %scan3A_161, %scan3A_162 : i32
          %scan3A_164 = arith.constant 1 : i32
          %scan3A_165 = scf.for %scan3A_170 = %scan3A_161 to %scan3A_163 step %scan3A_164 iter_args(%scan3A_171 = %broadcast_in_dim3A_1) -> (vector<16xi32>)  : i32 {
            %gather3A = tpu.vector_load_idx %arg27[%scan3A_111, %scan3A_171] : memref<128x32xf32, #tpu.memory_space<vmem>>[vector<16xi32>, vector<16xi32>], vector<16xf32>,
            %mul3A_172 = arith.mulf %get3A_116, %gather3A : vector<16xf32>
            %gather3A_173 = tpu.vector_load_idx %arg28[%scan3A_111, %scan3A_171] : memref<128x32xf32, #tpu.memory_space<vmem>>[vector<16xi32>, vector<16xi32>], vector<16xf32>,
            %mul3A_174 = arith.mulf %get3A_120, %gather3A_173 : vector<16xf32>
            %add3A_175 = arith.addf %mul3A_172, %mul3A_174 : vector<16xf32>
            %gather3A_176 = tpu.vector_load_idx %arg29[%scan3A_111, %scan3A_171] : memref<128x32xf32, #tpu.memory_space<vmem>>[vector<16xi32>, vector<16xi32>], vector<16xf32>,
            %mul3A_177 = arith.mulf %get3A_124, %gather3A_176 : vector<16xf32>
            %add3A_178 = arith.addf %add3A_175, %mul3A_177 : vector<16xf32>
            %gather3A_179 = tpu.vector_load_idx %arg30[%scan3A_111, %scan3A_171] : memref<128x32xf32, #tpu.memory_space<vmem>>[vector<16xi32>, vector<16xi32>], vector<16xf32>,
            %mul3A_180 = arith.mulf %get3A_128, %gather3A_179 : vector<16xf32>
            %add3A_181 = arith.addf %add3A_178, %mul3A_180 : vector<16xf32>
            %gather3A_182 = tpu.vector_load_idx %arg31[%scan3A_111, %scan3A_171] : memref<128x32xf32, #tpu.memory_space<vmem>>[vector<16xi32>, vector<16xi32>], vector<16xf32>,
            %mul3A_183 = arith.mulf %get3A_132, %gather3A_182 : vector<16xf32>
            %add3A_184 = arith.addf %add3A_181, %mul3A_183 : vector<16xf32>
            %gather3A_185 = tpu.vector_load_idx %arg32[%scan3A_111, %scan3A_171] : memref<128x32xf32, #tpu.memory_space<vmem>>[vector<16xi32>, vector<16xi32>], vector<16xf32>,
            %mul3A_186 = arith.mulf %get3A_136, %gather3A_185 : vector<16xf32>
            %add3A_187 = arith.addf %add3A_184, %mul3A_186 : vector<16xf32>
            %gather3A_188 = tpu.vector_load_idx %arg33[%scan3A_111, %scan3A_171] : memref<128x32xf32, #tpu.memory_space<vmem>>[vector<16xi32>, vector<16xi32>], vector<16xf32>,
            %mul3A_189 = arith.mulf %get3A_140, %gather3A_188 : vector<16xf32>
            %add3A_190 = arith.addf %add3A_187, %mul3A_189 : vector<16xf32>
            %gather3A_191 = tpu.vector_load_idx %arg34[%scan3A_111, %scan3A_171] : memref<128x32xf32, #tpu.memory_space<vmem>>[vector<16xi32>, vector<16xi32>], vector<16xf32>,
            %mul3A_192 = arith.mulf %get3A_144, %gather3A_191 : vector<16xf32>
            %add3A_193 = arith.addf %add3A_190, %mul3A_192 : vector<16xf32>
            %gather3A_194 = tpu.vector_load_idx %arg35[%scan3A_111, %scan3A_171] : memref<128x32xf32, #tpu.memory_space<vmem>>[vector<16xi32>, vector<16xi32>], vector<16xf32>,
            %mul3A_195 = arith.mulf %get3A_148, %gather3A_194 : vector<16xf32>
            %add3A_196 = arith.addf %add3A_193, %mul3A_195 : vector<16xf32>
            %gather3A_197 = tpu.vector_load_idx %arg36[%scan3A_111, %scan3A_171] : memref<128x32xf32, #tpu.memory_space<vmem>>[vector<16xi32>, vector<16xi32>], vector<16xf32>,
            %mul3A_198 = arith.mulf %get3A_152, %gather3A_197 : vector<16xf32>
            %add3A_199 = arith.addf %add3A_196, %mul3A_198 : vector<16xf32>
            %gather3A_200 = tpu.vector_load_idx %arg37[%scan3A_111, %scan3A_171] : memref<128x32xf32, #tpu.memory_space<vmem>>[vector<16xi32>, vector<16xi32>], vector<16xf32>,
            %mul3A_201 = arith.mulf %get3A_156, %gather3A_200 : vector<16xf32>
            %add3A_202 = arith.addf %add3A_199, %mul3A_201 : vector<16xf32>
            %gather3A_203 = tpu.vector_load_idx %arg38[%scan3A_111, %scan3A_171] : memref<128x32xf32, #tpu.memory_space<vmem>>[vector<16xi32>, vector<16xi32>], vector<16xf32>,
            %mul3A_204 = arith.mulf %get3A_160, %gather3A_203 : vector<16xf32>
            %add3A_205 = arith.addf %add3A_202, %mul3A_204 : vector<16xf32>
            %add3A_206 = arith.addi %mul3A_27, %mul3A_113 : i32
            %swap3A = arith.index_cast %scan3A_170 : i32 to index
            %swap3A_207 = arith.index_cast %add3A_206 : i32 to index
            %swap3A_208 = tpu.vector_load %arg13[%swap3A, %swap3A_207] {strides = array<i32>} : memref<32x1024xf32, #tpu.memory_space<vmem>>, vector<16xf32>,
            tpu.vector_store %arg13[%swap3A, %swap3A_207], %add3A_205 {strides = array<i32>} : memref<32x1024xf32, #tpu.memory_space<vmem>>, vector<16xf32>,
            %add3A_209 = arith.addi %scan3A_171, %broadcast_in_dim3A_3 : vector<16xi32>
            scf.yield %add3A_209 : vector<16xi32>
          }
          %scan3A_166 = arith.constant 32 : i32
          %add3A_167 = arith.constant 16 : i32
          %add3A_168 = vector.broadcast %add3A_167 : i32 to vector<16xi32>
          %add3A_169 = arith.addi %scan3A_111, %add3A_168 : vector<16xi32>
          scf.yield %add3A_169 : vector<16xi32>
        }
        %scan3A_109 = arith.constant 8 : i32
      }
      %scan3A_24 = arith.constant 8 : i32
      "tpu.region"() ({
        %run_scoped3A = tpu.sem_alloc : memref<!tpu.dma_semaphore, #tpu.memory_space<semaphore_mem>>
        %dma_start3A = arith.constant 0 : i32
        %dma_start3A_25 = tpu.memref_slice %arg8[%dma_start3A, %add3A_18] : memref<32x1048576xf32, #tpu.memory_space<hbm>> -> memref<32x1024xf32, #tpu.memory_space<hbm>>
        %dma_start3A_26 = arith.constant 0 : i32
        %dma_start3A_27 = tpu.memref_slice %arg8[%dma_start3A_26, %add3A_18] : memref<32x1048576xf32, #tpu.memory_space<hbm>> -> memref<32x1024xf32, #tpu.memory_space<hbm>>
        tpu.enqueue_dma source(%arg13 : memref<32x1024xf32, #tpu.memory_space<vmem>>) target(%dma_start3A_27 : memref<32x1024xf32, #tpu.memory_space<hbm>>) target_semaphore(%run_scoped3A : memref<!tpu.dma_semaphore, #tpu.memory_space<semaphore_mem>>)
        %dma_wait3A = arith.constant 0 : i32
        %dma_wait3A_28 = tpu.memref_slice %arg8[%dma_wait3A, %add3A_18] : memref<32x1048576xf32, #tpu.memory_space<hbm>> -> memref<32x1024xf32, #tpu.memory_space<hbm>>
        %dma_wait3A_29 = arith.constant 0 : i32
        %dma_wait3A_30 = tpu.memref_slice %arg8[%dma_wait3A_29, %add3A_18] : memref<32x1048576xf32, #tpu.memory_space<hbm>> -> memref<32x1024xf32, #tpu.memory_space<hbm>>
        tpu.wait_dma2 semaphore(%run_scoped3A : memref<!tpu.dma_semaphore, #tpu.memory_space<semaphore_mem>>) src(%arg13 : memref<32x1024xf32, #tpu.memory_space<vmem>>) dst(%dma_wait3A_30 : memref<32x1024xf32, #tpu.memory_space<hbm>>)
        tpu.yield
      }) : () -> ()
    }
    %scan3A_12 = arith.constant 32 : i32
    return
  }
}

</mosaic_0001>

<sc_bundles>
// kernel: _tri_plane_sample.3.cloned.1.call-start
scs
__scs_entry_jumppad:
0x0: {  	(pc) =	sbr.rel $0x88, $3  }
0x1: {  	(tag) =	ssettag $0x0;
	lr =	simm.s32 $0x1  }
0x2: {  	[smem:$0x3F9B] =	sst lr;
	_ =	strace $0xD0000000  }
0x3: {  	_ = 	snop  }
0x4: {  	_ = 	snop  }
0x5: {  	_ = 	snop  }
0x6: {  	_ = 	snop  }
0x7: {  	_ = 	snop  }
__scs_overlays_trampoline_lowered:
0x8: {  	[smem:$0x3FAA] =	sst s0  }
0x9: {  	[smem:$0x3FAB] =	sst s1  }
0xa: {  	[smem:$0x3FAC] =	sst s2  }
0xb: {  	[smem:$0x3FAD] =	sst s3  }
0xc: {  	[smem:$0x3FAE] =	sst s4  }
0xd: {  	[smem:$0x3FAF] =	sst s5  }
0xe: {  	[smem:$0x3FB0] =	sst s6  }
0xf: {  	[smem:$0x3FB1] =	sst s7  }
0x10: {  	[smem:$0x3FB2] =	sst s8  }
0x11: {  	[smem:$0x3FB3] =	sst s9;
	s0 =	simm.s32 @!p0 $0x0  }
0x12: {  	s1 =	sld [smem:$0x3F99];
	s0 =	simm.s32 @p0 $0x1  }
0x13: {  	[smem:$0x3FB4] =	sst s0;
	s0 =	simm.s32 @!p1 $0x0  }
0x14: {  	s2 =	sld [smem:$0x3F98];
	s0 =	simm.s32 @p1 $0x1  }
0x15: {  	[smem:$0x3FB5] =	sst s0;
	s0 =	simm.s32 @!p2 $0x0  }
0x16: {  	s3 =	sld [smem:$0x3FDB];
	s0 =	simm.s32 @p2 $0x1  }
0x17: {  	s4 =	simm.s32 $0x1BF5;
	[smem:$0x3FB7] =	sst s0  }
0x18: {  	s0 =	sld [smem:$0x3F9A];
	_ =	swait.ge [sflag:s4], $0x0  }
0x19: {  	s7 =	sld [smem:$0x3F9B]  }
0x1a: {  	s8 =	sadd.s32 $0xFFFFE003, lr  }
0x1b: {  	s9 =	sadd.s32 $0xFFFFFEF7, lr;
	s5 =	simm.s32 $0xFFFFFFFF;
	p2 =	slt.u32 s8, $0xFFFFF086  }
0x1c: {  	p1 =	slt.u32 s9, $0xF7A;
	s5 =	simm.s32 @!p2 $0x0  }
0x1d: {  	s5 =	simm.s32 @p1 $0x1;
	p0 =	seq.s32 s7, s2  }
0x1e: {  	s7 =	smul.u32 @!p0 $0xF7A, s2;
	p2 =	seq.s32 @!p0 s5, $0x0  }
0x1f: {  	s9 =	smul.u32 $0xF7A, s1;
	s8 =	simm.s32 @!p0 $0x1BF5;
	p2 =	por !p2, p0  }
0x20: {  	[sflag:s8] =	ssyncset.s32 @!p0 $0xFFFFF086;
	s6 =	sadd.s32 @!p0 s3, s7;
	s7 =	simm.s32 @!p0 $0x108  }
0x21: {  	s3 =	sadd.s32 s3, s9;
	s6 =	sadd.s32 @!p0 $0x88, s6;
	s7 =	simm.s32 @p2 $0x1082  }
0x22: {  	[simem:s7], [sflag:s8] =	dma.local @!p0 [hbm:s6], $0xF7A  }
0x23: {  	s9 =	sor.u32 $0xD0000000, s2;
	s6 =	simm.s32 $0x108;
	_ =	swait.ge @!p0 [sflag:s8], $0x0  }
0x24: {  	s3 =	sadd.s32 $0x88, s3;
	s6 =	simm.s32 @!p1 $0x1082;
	[sflag:s4] =	ssyncset.s32 $0xFFFFF086  }
0x25: {  	[simem:s6], [sflag:s4] =	dma.local [hbm:s3], $0xF7A  }
0x26: {  	[smem:$0x3F9B] =	sst s1;
	(tag) =	ssettag s2;
	_ =	strace s9  }
0x27: {  	s1 =	sld [smem:$0x3FAB]  }
0x28: {  	s2 =	sld [smem:$0x3FAC]  }
0x29: {  	s4 =	sld [smem:$0x3FAE]  }
0x2a: {  	p0 =	seq.s32 s5, $0x0;
	s5 =	sld [smem:$0x3FAF]  }
0x2b: {  	s6 =	sld [smem:$0x3FB0]  }
0x2c: {  	s7 =	sld [smem:$0x3FB1]  }
0x2d: {  	s3 =	simm.s32 $0x108;
	s8 =	sld [smem:$0x3FB2]  }
0x2e: {  	s3 =	simm.s32 @!p0 $0x1082;
	s9 =	sld [smem:$0x3FB3]  }
0x2f: {  	lr =	sadd.s32 s0, s3;
	s0 =	sld [smem:$0x3FAA]  }
0x30: {  	s3 =	sld [smem:$0x3FAD]  }
0x31: {  	[smem:$0x3FB6] =	sst s10  }
0x32: {  	s10 =	sld [smem:$0x3FB4];
	_ =	sdelay $0x3  }
0x33: {  	p0 =	seq.s32 s10, $0x1;
	s10 =	sld [smem:$0x3FB6];
	_ =	sdelay $0x3  }
0x34: {  	[smem:$0x3FB6] =	sst s10  }
0x35: {  	s10 =	sld [smem:$0x3FB5];
	_ =	sdelay $0x3  }
0x36: {  	p1 =	seq.s32 s10, $0x1;
	s10 =	sld [smem:$0x3FB6];
	_ =	sdelay $0x3  }
0x37: {  	[smem:$0x3FB6] =	sst s10  }
0x38: {  	s10 =	sld [smem:$0x3FB7]  }
0x39: {  	_ = 	snop;
	(pc) =	sbr.ind lr, $3  }
0x3a: {  	_ = 	snop  }
0x3b: {  	_ = 	snop  }
0x3c: {  	p2 =	seq.s32 s10, $0x1;
	s10 =	sld [smem:$0x3FB6]  }
0x3d: {  	_ =	shalt  }
0x3e: {  	_ =	shalt  }
0x3f: {  	_ =	shalt  }
0x40: {  	_ =	shalt  }
0x41: {  	_ =	shalt  }
0x42: {  	_ =	shalt  }
0x43: {  	_ =	shalt  }
0x44: {  	_ =	shalt  }
0x45: {  	_ =	shalt  }
0x46: {  	_ =	shalt  }
0x47: {  	_ =	shalt  }
0x48: {  	_ =	shalt  }
0x49: {  	_ =	shalt  }
0x4a: {  	_ =	shalt  }
0x4b: {  	_ =	shalt  }
0x4c: {  	_ =	shalt  }
0x4d: {  	_ =	shalt  }
0x4e: {  	_ =	shalt  }
0x4f: {  	_ =	shalt  }
0x50: {  	_ =	shalt  }
0x51: {  	_ =	shalt  }
0x52: {  	_ =	shalt  }
0x53: {  	_ =	shalt  }
0x54: {  	_ =	shalt  }
0x55: {  	_ =	shalt  }
0x56: {  	_ =	shalt  }
0x57: {  	_ =	shalt  }
0x58: {  	_ =	shalt  }
0x59: {  	_ =	shalt  }
0x5a: {  	_ =	shalt  }
0x5b: {  	_ =	shalt  }
0x5c: {  	_ =	shalt  }
0x5d: {  	_ =	shalt  }
0x5e: {  	_ =	shalt  }
0x5f: {  	_ =	shalt  }
0x60: {  	_ =	shalt  }
0x61: {  	_ =	shalt  }
0x62: {  	_ =	shalt  }
0x63: {  	_ =	shalt  }
0x64: {  	_ =	shalt  }
0x65: {  	_ =	shalt  }
0x66: {  	_ =	shalt  }
0x67: {  	_ =	shalt  }
0x68: {  	_ =	shalt  }
0x69: {  	_ =	shalt  }
0x6a: {  	_ =	shalt  }
0x6b: {  	_ =	shalt  }
0x6c: {  	_ =	shalt  }
0x6d: {  	_ =	shalt  }
0x6e: {  	_ =	shalt  }
0x6f: {  	_ =	shalt  }
0x70: {  	_ =	shalt  }
0x71: {  	_ =	shalt  }
0x72: {  	_ =	shalt  }
0x73: {  	_ =	shalt  }
0x74: {  	_ =	shalt  }
0x75: {  	_ =	shalt  }
0x76: {  	_ =	shalt  }
0x77: {  	_ =	shalt  }
0x78: {  	_ =	shalt  }
0x79: {  	_ =	shalt  }
0x7a: {  	_ =	shalt  }
0x7b: {  	_ =	shalt  }
0x7c: {  	_ =	shalt  }
0x7d: {  	_ =	shalt  }
0x7e: {  	_ =	shalt  }
0x7f: {  	_ =	shalt  }
0x80: {  	_ =	shalt  }
0x81: {  	_ =	shalt  }
0x82: {  	_ =	shalt  }
0x83: {  	_ =	shalt  }
0x84: {  	_ =	shalt  }
0x85: {  	_ =	shalt  }
0x86: {  	_ =	shalt  }
0x87: {  	_ =	shalt  }
.Lfunc_end0:
.L_simem_size_0:
called_computation_lowered:
.L_overlay_start_0:
0x88: {  	s2 =	sld [smem:$0x3FD9]  }
0x89: {  	s3 =	sld [smem:$0x3FFE];
	_ =	sdelay $0x1  }
0x8a: {  	s1 =	srdreg.scid  }
0x8b: {  	s0 =	sand.u32 $0x1, s1  }
0x8c: {  	s17 =	sshll.u32 s0, $0xA;
	s2 =	sadd.s32 s3, s2  }
0x8d: {  	s2 =	sadd.s32 s2, s17  }
0x8e: {  	[smem:$0x3FC2] =	sst s2  }
0x8f: {  	_ = 	snop  }
0x90: {  	s2 =	sld [smem:$0x3FC9]  }
0x91: {  	s18 =	sld [smem:$0x3FC8]  }
0x92: {  	s4 =	sld [smem:$0x3FC7];
	(tm) =	ssettm $0x1  }
0x93: {  	s5 =	sld [smem:$0x3FFB];
	_ =	sdelay $0x3  }
0x94: {  	_ =	strace s5  }
0x95: {  	s5 =	sld [smem:$0x3FFC];
	_ =	sdelay $0x3  }
0x96: {  	_ =	strace s5  }
0x97: {  	s5 =	sld [smem:$0x3FFD];
	_ =	sdelay $0x3  }
0x98: {  	_ =	strace s5  }
0x99: {  	_ =	strace $0x8FFFFFFF  }
0x9a: {  	s19 =	sld [smem:$0x3FDB];
	_ =	sdelay $0x1  }
0x9b: {  	s6 =	simm.s32 $_scs_section_size  }
0x9c: {  	s7 =	simm.s32 $_size__tile_overlayer_lowered;
	s8 =	simm.s32 $_tile_overlayer_lowered  }
0x9d: {  	s22 =	simm.s32 $0x1BFF;
	s21 =	sshll.u32 s8, $0x1;
	s5 =	sadd.s32 s6, s19  }
0x9e: {  	s9 =	simm.s32 $0x0;
	s20 =	sshll.u32 s7, $0x1;
	s7 =	sadd.s32 s21, s5  }
0x9f: {  	[timem:s9], [sflag:s22] =	dma.local [hbm:s7], s20  }
0xa0: {  	_ =	swait.ge [sflag:s22], s20  }
0xa1: {  	s6 =	ssub.s32 $0x0, s20;
	[sflag:s22] =	ssyncset.done $0x0  }
0xa2: {  	[sflag:s22] =	ssyncadd.s32 s6;
	_ =	sdelay $0x1  }
0xa3: {  	s23 =	simm.s32 $0x1B8B  }
0xa4: {  	_ =	swait.ge [sflag:s23], $0x1  }
0xa5: {  	[sflag:s23] =	ssyncset.done $0x0  }
0xa6: {  	s25 =	simm.s32 $0x1B8E;
	s24 =	sld [smem:$0x3FFE];
	[sflag:s23] =	ssyncadd.s32 $0xFFFFFFFF  }
0xa7: {  	s26 =	simm.s32 $execute0_lowered;
	[smem:$0x3FD2] =	sst s25  }
0xa8: {  	s7 =	sshll.u32 s26, $0x1;
	_ =	strace $0x80000046;
	[dreg:$0x1] =	wrdreg $0xFFFFFFFF  }
0xa9: {  	s28 =	simm.s32 $_size_execute0_lowered;
	s5 =	sadd.s32 s5, s7;
	[dreg:$0x0] =	wrdreg $0x0  }
0xaa: {  	s7 =	sshll.u32 s28, $0x1;
	[dreg:$0x2] =	wrdreg s5  }
0xab: {  	[dreg:$0x3] =	wrdreg s7  }
0xac: {  	[dreg:$0x4] =	wrdreg $0xC0  }
0xad: {  	_ =	task [dreg:s9], $0x5FFFF  }
0xae: {  	[dreg:$0x1] =	wrdreg $0xFFFFFFFF  }
0xaf: {  	[dreg:$0x0] =	wrdreg $0x60  }
0xb0: {  	[dreg:$0x2] =	wrdreg s2  }
0xb1: {  	[dreg:$0x3] =	wrdreg s18  }
0xb2: {  	[dreg:$0x4] =	wrdreg s4  }
0xb3: {  	[dreg:$0x5] =	wrdreg s24  }
0xb4: {  	[dreg:$0x6] =	wrdreg $0x9  }
0xb5: {  	_ =	task.clear_ibuf [dreg:s9], $0x7FFFF;
	_ =	strace $0x90000046  }
0xb6: {  	s29 =	simm.s32 $0x9;
	_ =	strace $0x80000048  }
0xb7: {  	_ =	swait.ge [sflag:s29], $0x1  }
0xb8: {  	[sflag:s29] =	ssyncadd.s32 $0xFFFFFFFF  }
0xb9: {  	_ =	strace $0x90000048  }
0xba: {  	_ =	sfence  }
0xbb: {  	s30 =	sld [smem:$0x0];
	_ =	sdelay $0x2  }
0xbc: {  	s31 =	sshll.u32 s1, $0xD;
	s1 =	sshrl.u32 s1, $0x2  }
0xbd: {  	s3 =	sand.u32 $0x4000, s31;
	s1 =	sadd.s32 s1, s30  }
0xbe: {  	s0 =	sor.u32 s3, s0;
	s1 =	sshll.u32 s1, $0x11  }
0xbf: {  	s0 =	sor.u32 s1, s0  }
0xc0: {  	s0 =	sadd.s32 $0x8F2B, s0  }
0xc1: {  	[sflag:s0] =	ssyncadd.remote.s32 $0x1  }
0xc2: {  	_ =	sfence.sel $0xFFFF  }
0xc3: {  	[dreg:$0x0] =	wrdreg $0xFFFFFFFF;
	(pc) =	sbr.abs _section_cstart, $3  }
0xc4: {  	[dreg:$0x1] =	wrdreg $0xFFFFFFFF  }
0xc5: {  	_ =	task.clear_ibuf [dreg:s9], $0x2FFFF;
	_ =	strace $0x9FFFFFFF  }
0xc6: {  	(tm) =	ssettm $0x7FFFFFFF  }
0xc7: {  	_ =	shalt  }
tec
execute0_lowered:
.L_overlay_start_1:
0x0: {  	(tag) =	ssettag $0x1  }
0x1: {  	s0 =	rddreg [dreg:$0x3];
	s10 =	simm.s32 $0x0;
	s1 =	srdreg.scid  }
0x2: {  	s4 =	stileid.u32;
	s18 =	simm.s32 $0x2;
	s13 =	simm.s32 $0x80  }
0x3: {  	s15 =	simm.s32 $0x9800;
	s17 =	simm.s32 $0xA800;
	s19 =	simm.s32 $0xB800  }
0x4: {  	s21 =	simm.s32 $0xC800;
	s23 =	simm.s32 $0xD800;
	s25 =	simm.s32 $0xE800  }
0x5: {  	s28 =	simm.s32 $0xF800;
	s30 =	simm.s32 $0x10800;
	s5 =	simm.s32 $0x9680  }
0x6: {  	s11 =	simm.s32 $0x12800;
	s9 =	simm.s32 $0x1;
	[smem:$0x7FF] =	sst s10  }
0x7: {  	s1 =	sand.u32 $0x1, s1;
	s7 =	sadd.s32 $0x100600, s0;
	s8 =	sadd.s32 $0x200600, s0  }
0x8: {  	s6 =	sadd.s32 $0x600, s0;
	s26 =	sshll.u32 s4, $0xD;
	s0 =	sadd.s32 $0x300600, s0  }
0x9: {  	s4 =	simm.s32 $0x9700;
	_ =	strace $0x80000047;
	s2 =	ssub.s32 $0x2, s1  }
0xa: {  	s1 =	sshll.u32 s1, $0xC;
	[dreg:$0x6] =	wrdreg s0;
	s3 =	sshrl.u32 s2, $0x1  }
0xb: {  	s0 =	simm.s32 $0x11800;
	s29 =	sor.u32 s1, s26;
	s2 =	ssub.s32 s2, s3  }
0xc: {  	s1 =	simm.s32 $0x13800;
	[dreg:$0x7] =	wrdreg s29;
	s31 =	smax.u32 s2, $0x1  }
0xd: {  	v0 =	vimm.s32 $0x0;
	s3 =	simm.s32 $0x14800;
	s2 =	simm.s32 $0x9780;
	[dreg:$0x8] =	wrdreg s31  }
.LBB2_1:
0xe: {  	[dreg:$0x5] =	wrdreg s10;
	s10 =	simm.s32 $0x0  }
.LBB2_2:
0xf: {  	s24 =	sshll.u32 s10, $0x7;
	s12 =	rddreg [dreg:$0x7]  }
0x10: {  	s26 =	rddreg [dreg:$0x0];
	s16 =	sadd.s32 s12, s24  }
0x11: {  	[dreg:$0x9] =	wrdreg s10;
	s12 =	simm.s32 $0x0;
	s10 =	sadd.s32 s26, s16  }
0x12: {  	[tilespmem:s12], [sflag:$0x2] =	stream.linear.gather [hbm4b:s10+s12], $0x400, $0x38;
	[tilespmem:$0x15800] =	vst v63  }
0x13: {  	_ =	swait.ge [sflag:s18], $0x400  }
0x14: {  	[sflag:s18] =	ssyncset.done $0x0  }
0x15: {  	[sflag:s18] =	ssyncadd.s32 $0xFFFFFC00  }
0x16: {  	s29 =	rddreg [dreg:$0x1]  }
0x17: {  	s10 =	simm.s32 $0x400;
	s14 =	sadd.s32 s29, s16  }
0x18: {  	[tilespmem:s10], [sflag:$0x2] =	stream.linear.gather [hbm4b:s14+s12], $0x400, $0x38;
	[tilespmem:$0x15800] =	vst v63  }
0x19: {  	_ =	swait.ge [sflag:s18], $0x400  }
0x1a: {  	[sflag:s18] =	ssyncset.done $0x0  }
0x1b: {  	[sflag:s18] =	ssyncadd.s32 $0xFFFFFC00  }
0x1c: {  	s31 =	rddreg [dreg:$0x2]  }
0x1d: {  	s14 =	simm.s32 $0x800;
	[dreg:$0xa] =	wrdreg s16;
	s16 =	sadd.s32 s31, s16  }
0x1e: {  	[tilespmem:s14], [sflag:$0x2] =	stream.linear.gather [hbm4b:s16+s12], $0x400, $0x38;
	[tilespmem:$0x15800] =	vst v63  }
0x1f: {  	_ =	swait.ge [sflag:s18], $0x400  }
0x20: {  	[sflag:s18] =	ssyncset.done $0x0  }
0x21: {  	s22 =	simm.s32 $0x1200;
	[sflag:s18] =	ssyncadd.s32 $0xFFFFFC00;
	s18 =	simm.s32 $0x0  }
.LBB2_3:
0x22: {  	v1 =	vmov s14  }
0x23: {  	v2 =	vmov s12  }
0x24: {  	v3 =	vmov s10;
	_ =	sdelay $0x1  }
0x25: {  	s20 =	simm.s32 $0x0  }
0x26: {  	v4 =	vld.idx.msk [tilespmem:v1+s20+$0x0 ss:$0x1], $0xffff  }
0x27: {  	v5 =	vld.idx.msk [tilespmem:v2+s20+$0x0 ss:$0x1], $0xffff  }
0x28: {  	v6 =	vld.idx.msk [tilespmem:v3+s20+$0x0 ss:$0x1], $0xffff;
	_ =	sdelay $0x3  }
0x29: {  	v4 =	vadd.f32 $1.000000000e+00, v4;
	v5 =	vadd.f32 $1.000000000e+00, v5  }
0x2a: {  	v6 =	vadd.f32 $1.000000000e+00, v6  }
0x2b: {  	v4 =	vmul.f32 $5.120000000e+02, v4;
	v5 =	vmul.f32 $5.120000000e+02, v5  }
0x2c: {  	v6 =	vmul.f32 $5.120000000e+02, v6  }
0x2d: {  	v4 =	vadd.f32 $-1.000000000e+00, v4;
	v5 =	vadd.f32 $-1.000000000e+00, v5  }
0x2e: {  	v6 =	vadd.f32 $-1.000000000e+00, v6  }
0x2f: {  	v4 =	vmul.f32 $5.000000000e-01, v4;
	v5 =	vmul.f32 $5.000000000e-01, v5  }
0x30: {  	v7 =	vmul.f32 $5.000000000e-01, v6  }
0x31: {  	v6 =	vtrunc.f32 v4;
	v8 =	vtrunc.f32 v5  }
0x32: {  	v14 =	vtrunc.f32 v7;
	v9 =	vcvt.f32.s32 v6  }
0x33: {  	vm0 =	vlt.f32 v4, v6;
	v6 =	vcvt.f32.s32 v8;
	vm1 =	vlt.f32 v5, v8  }
0x34: {  	v8 =	vsel vm0, $0xFFFFFFFF, v0;
	v10 =	vsel vm1, $0xFFFFFFFF, v0;
	vm0 =	vlt.f32 v7, v14  }
0x35: {  	v9 =	vadd.s32 v9, v8;
	v6 =	vadd.s32 v6, v10;
	v13 =	vsel vm0, $0xFFFFFFFF, v0  }
0x36: {  	v8 =	vcvt.s32.f32 v9;
	vm2 =	vlt.u32 v9, $0x200;
	v10 =	vcvt.s32.f32 v6  }
0x37: {  	vm3 =	vgt.s32 v9, $0x0;
	vm1 =	vgt.s32 v6, $0x0;
	vm0 =	vlt.u32 v6, $0x200  }
0x38: {  	v16 =	vsub.f32 v4, v8;
	v8 =	vadd.s32 $0x1, v9;
	v12 =	vsub.f32 v5, v10  }
0x39: {  	v10 =	vadd.s32 $0x1, v6;
	v4 =	vnsel vm1, $0x0, v6;
	v9 =	vnsel vm3, $0x0, v9  }
0x3a: {  	v4 =	vmin.u32 v4, $0x1FF;
	v5 =	vsub.f32 $1.000000000e+00, v16;
	v15 =	vsub.f32 $1.000000000e+00, v12  }
0x3b: {  	vm1 =	vlt.u32 v10, $0x200;
	vm3 =	vlt.u32 v8, $0x200;
	v11 =	vmin.u32 v9, $0x1FF  }
0x3c: {  	v9 =	vnsel vm0, $0x0, v15;
	vm0 =	vgt.s32 v10, $0x0;
	v6 =	vnsel vm2, $0x0, v5  }
0x3d: {  	s16 =	simm.s32 $0x40;
	v15 =	vcvt.f32.s32 v14;
	v5 =	vnsel vm3, $0x0, v16;
	v14 =	vmul.f32 v6, v9  }
.LBB2_4:
0x3e: {  	p0 =	sne.s32 s16, $0x1C0;
	v12 =	vnsel vm1, $0x0, v12;
	vm1 =	vgt.s32 v8, $0x0;
	v16 =	vmul.f32 v5, v9;
	s24 =	smov.u32 s16;
	s16 =	sadd.s32 $0x40, s16  }
0x3f: {  	v13 =	vadd.s32 v15, v13;
	v8 =	vnsel vm1, $0x0, v8;
	v15 =	vmul.f32 v6, v12;
	[tilespmem:s20+$0xE00] =	vst v14  }
0x40: {  	v14 =	vcvt.s32.f32 v13;
	v17 =	vadd.s32 $0x1, v13;
	v8 =	vmin.u32 v8, $0x1FF;
	[tilespmem:s20+$0xF00] =	vst v16  }
0x41: {  	vm1 =	vlt.u32 v17, $0x200;
	vm2 =	vgt.s32 v17, $0x0;
	v8 =	vshll.u32 v8, $0x9;
	[tilespmem:s20+$0xE80] =	vst v15  }
0x42: {  	v10 =	vnsel vm0, $0x0, v10;
	v7 =	vsub.f32 v7, v14;
	v14 =	vnsel vm2, $0x0, v17  }
0x43: {  	v11 =	vshll.u32 v11, $0x9;
	v10 =	vmin.u32 v10, $0x1FF;
	v14 =	vmin.u32 v14, $0x1FF  }
0x44: {  	v16 =	vor.u32 v10, v11;
	v15 =	vsub.f32 $1.000000000e+00, v7;
	v7 =	vnsel vm1, $0x0, v7  }
0x45: {  	vm0 =	vlt.u32 v13, $0x200;
	v18 =	vor.u32 v14, v11;
	v17 =	vmul.f32 v9, v7;
	[tilespmem:s20+$0x9480] =	vst v16  }
0x46: {  	v16 =	vmul.f32 v7, v12;
	v19 =	vmul.f32 v6, v7;
	v15 =	vnsel vm0, $0x0, v15;
	[tilespmem:s20+$0x9680] =	vst v18  }
0x47: {  	v20 =	vor.u32 v4, v11;
	v9 =	vmul.f32 v15, v9;
	v18 =	vmul.f32 v15, v12;
	[tilespmem:s20+$0xD00] =	vst v17  }
0x48: {  	v17 =	vshll.u32 v14, $0x9;
	v6 =	vmul.f32 v6, v15;
	v15 =	vmul.f32 v15, v5;
	[tilespmem:s20+$0x9400] =	vst v20  }
0x49: {  	v7 =	vmul.f32 v5, v7;
	v20 =	vor.u32 v4, v17;
	v17 =	vor.u32 v10, v17;
	[tilespmem:s20+$0xC00] =	vst v9  }
0x4a: {  	vm0 =	vgt.s32 v13, $0x0;
	v14 =	vor.u32 v14, v8;
	v9 =	vor.u32 v4, v8;
	[tilespmem:s20+$0x9380] =	vst v17  }
0x4b: {  	v13 =	vnsel vm0, $0x0, v13;
	v5 =	vmul.f32 v5, v12;
	v17 =	vor.u32 v10, v8;
	[tilespmem:s20+$0x9300] =	vst v20  }
0x4c: {  	v12 =	vmin.u32 v13, $0x1FF;
	[tilespmem:s20+$0x1080] =	vst v19  }
0x4d: {  	v13 =	vshll.u32 v12, $0x9;
	v11 =	vor.u32 v12, v11;
	v8 =	vor.u32 v12, v8;
	[tilespmem:s20+$0xF80] =	vst v5  }
0x4e: {  	v4 =	vor.u32 v4, v13;
	v5 =	vor.u32 v10, v13;
	[tilespmem:s20+$0x9500] =	vst v9  }
0x4f: {  	[tilespmem:s20+$0xD80] =	vst v16  }
0x50: {  	[tilespmem:s20+$0x9580] =	vst v17  }
0x51: {  	[tilespmem:s20+$0x1180] =	vst v7  }
0x52: {  	[tilespmem:s20+$0x9780] =	vst v14  }
0x53: {  	[tilespmem:s20+$0xC80] =	vst v18  }
0x54: {  	[tilespmem:s20+$0x9600] =	vst v11  }
0x55: {  	[tilespmem:s20+$0x9200] =	vst v4  }
0x56: {  	[tilespmem:s20+$0x9700] =	vst v8  }
0x57: {  	[tilespmem:s20+$0x1100] =	vst v15  }
0x58: {  	[tilespmem:s20+$0x9280] =	vst v5  }
0x59: {  	[tilespmem:s20+$0x1000] =	vst v6;
	s20 =	sshra.s32 s24, $0x2  }
0x5a: {  	v4 =	vld.idx.msk [tilespmem:v1+s20+$0x0 ss:$0x1], $0xffff  }
0x5b: {  	v5 =	vld.idx.msk [tilespmem:v2+s20+$0x0 ss:$0x1], $0xffff  }
0x5c: {  	v6 =	vld.idx.msk [tilespmem:v3+s20+$0x0 ss:$0x1], $0xffff;
	_ =	sdelay $0x3  }
0x5d: {  	v4 =	vadd.f32 $1.000000000e+00, v4  }
0x5e: {  	v5 =	vadd.f32 $1.000000000e+00, v5  }
0x5f: {  	v6 =	vadd.f32 $1.000000000e+00, v6;
	v4 =	vmul.f32 $5.120000000e+02, v4  }
0x60: {  	v5 =	vmul.f32 $5.120000000e+02, v5  }
0x61: {  	v6 =	vmul.f32 $5.120000000e+02, v6;
	v4 =	vadd.f32 $-1.000000000e+00, v4  }
0x62: {  	v5 =	vadd.f32 $-1.000000000e+00, v5  }
0x63: {  	v6 =	vadd.f32 $-1.000000000e+00, v6;
	v4 =	vmul.f32 $5.000000000e-01, v4  }
0x64: {  	v5 =	vmul.f32 $5.000000000e-01, v5  }
0x65: {  	v7 =	vmul.f32 $5.000000000e-01, v6;
	v6 =	vtrunc.f32 v4  }
0x66: {  	v8 =	vtrunc.f32 v5;
	v9 =	vcvt.f32.s32 v6;
	vm0 =	vlt.f32 v4, v6  }
0x67: {  	v6 =	vcvt.f32.s32 v8;
	vm1 =	vlt.f32 v5, v8;
	v8 =	vsel vm0, $0xFFFFFFFF, v0  }
0x68: {  	v14 =	vtrunc.f32 v7;
	v10 =	vsel vm1, $0xFFFFFFFF, v0;
	v9 =	vadd.s32 v9, v8  }
0x69: {  	v6 =	vadd.s32 v6, v10;
	v8 =	vcvt.s32.f32 v9;
	vm2 =	vlt.u32 v9, $0x200  }
0x6a: {  	vm0 =	vlt.f32 v7, v14;
	vm3 =	vgt.s32 v9, $0x0;
	v10 =	vcvt.s32.f32 v6  }
0x6b: {  	vm1 =	vgt.s32 v6, $0x0;
	v16 =	vsub.f32 v4, v8;
	v8 =	vadd.s32 $0x1, v9  }
0x6c: {  	v4 =	vnsel vm1, $0x0, v6;
	v12 =	vsub.f32 v5, v10;
	v10 =	vadd.s32 $0x1, v6  }
.Ltmp0:
0x6d: {  	v13 =	vsel vm0, $0xFFFFFFFF, v0;
	v4 =	vmin.u32 v4, $0x1FF;
	v5 =	vsub.f32 $1.000000000e+00, v16;
	(pc) =	sbr.rel @p0 .LBB2_4-.Ltmp0, $4  }
0x6e: {  	v9 =	vnsel vm3, $0x0, v9;
	vm1 =	vlt.u32 v10, $0x200;
	v15 =	vsub.f32 $1.000000000e+00, v12  }
0x6f: {  	vm0 =	vlt.u32 v6, $0x200;
	vm3 =	vlt.u32 v8, $0x200;
	v11 =	vmin.u32 v9, $0x1FF  }
0x70: {  	v6 =	vnsel vm2, $0x0, v5;
	v9 =	vnsel vm0, $0x0, v15;
	vm0 =	vgt.s32 v10, $0x0  }
0x71: {  	v5 =	vnsel vm3, $0x0, v16;
	v15 =	vcvt.f32.s32 v14;
	v14 =	vmul.f32 v6, v9  }
0x72: {  	v1 =	vnsel vm1, $0x0, v12;
	v3 =	vmul.f32 v5, v9  }
0x73: {  	v10 =	vnsel vm0, $0x0, v10;
	v11 =	vshll.u32 v11, $0x9;
	vm14 =	vgt.s32 v8, $0x0;
	[tilespmem:s20+$0xE00] =	vst v14  }
0x74: {  	v2 =	vadd.s32 v15, v13;
	v44 =	vmul.f32 v6, v1;
	v52 =	vor.u32 v4, v11;
	[tilespmem:s20+$0xF00] =	vst v3  }
0x75: {  	v8 =	vnsel vm14, $0x0, v8;
	v56 =	vmul.f32 v5, v1;
	v43 =	vcvt.s32.f32 v2;
	[tilespmem:s20+$0x9400] =	vst v52  }
0x76: {  	v13 =	vadd.s32 $0x1, v2;
	v3 =	vmin.u32 v10, $0x1FF;
	v8 =	vmin.u32 v8, $0x1FF;
	[tilespmem:s20+$0xE80] =	vst v44  }
0x77: {  	vm15 =	vgt.s32 v2, $0x0;
	v48 =	vor.u32 v3, v11;
	v8 =	vshll.u32 v8, $0x9;
	[tilespmem:s20+$0xF80] =	vst v56  }
0x78: {  	vm13 =	vlt.u32 v2, $0x200;
	v2 =	vnsel vm15, $0x0, v2;
	[tilespmem:s20+$0x9480] =	vst v48;
	v58 =	vor.u32 v4, v8  }
0x79: {  	vm2 =	vgt.s32 v13, $0x0;
	v59 =	vor.u32 v3, v8;
	v2 =	vmin.u32 v2, $0x1FF;
	[tilespmem:s20+$0x9500] =	vst v58  }
0x7a: {  	v45 =	vnsel vm2, $0x0, v13;
	[tilespmem:s20+$0x9580] =	vst v59;
	v62 =	vor.u32 v2, v11  }
0x7b: {  	v46 =	vmin.u32 v45, $0x1FF;
	v61 =	vshll.u32 v2, $0x9;
	v2 =	vor.u32 v2, v8;
	[tilespmem:s20+$0x9600] =	vst v62  }
0x7c: {  	v50 =	vor.u32 v46, v11;
	[tilespmem:s20+$0x9700] =	vst v2  }
0x7d: {  	v7 =	vsub.f32 v7, v43;
	v60 =	vor.u32 v46, v8;
	[tilespmem:s20+$0x9680] =	vst v50  }
0x7e: {  	vm12 =	vlt.u32 v13, $0x200;
	v53 =	vshll.u32 v46, $0x9;
	v2 =	vor.u32 v3, v61;
	[tilespmem:s20+$0x9780] =	vst v60  }
0x7f: {  	v47 =	vsub.f32 $1.000000000e+00, v7;
	v7 =	vnsel vm12, $0x0, v7;
	v54 =	vor.u32 v3, v53;
	[tilespmem:s20+$0x9280] =	vst v2  }
0x80: {  	v49 =	vmul.f32 v9, v7;
	v14 =	vor.u32 v4, v53;
	[tilespmem:s20+$0x9380] =	vst v54  }
0x81: {  	v55 =	vmul.f32 v6, v7;
	[tilespmem:s20+$0x9300] =	vst v14  }
0x82: {  	v57 =	vmul.f32 v7, v1;
	[tilespmem:s20+$0xD00] =	vst v49  }
0x83: {  	v7 =	vmul.f32 v5, v7;
	v12 =	vnsel vm13, $0x0, v47;
	[tilespmem:s20+$0x1080] =	vst v55  }
0x84: {  	v51 =	vmul.f32 v12, v9;
	[tilespmem:s20+$0xD80] =	vst v57  }
0x85: {  	v1 =	vmul.f32 v12, v1;
	[tilespmem:s20+$0x1180] =	vst v7  }
0x86: {  	[tilespmem:s20+$0xC00] =	vst v51  }
0x87: {  	v63 =	vmul.f32 v12, v5;
	[tilespmem:s20+$0xC80] =	vst v1;
	v1 =	vor.u32 v4, v61  }
0x88: {  	[tilespmem:s20+$0x9200] =	vst v1;
	v1 =	vmul.f32 v6, v12  }
0x89: {  	[tilespmem:s20+$0x1100] =	vst v63  }
0x8a: {  	s16 =	simm.s32 $0x9200;
	[tilespmem:s20+$0x1000] =	vst v1  }
0x8b: {  	[tilespmem:s15], [sflag:$0x1] =	stream.indirect.gather [hbm4b:s6+s13], $0x20, s16, s13, $0xb8;
	[tilespmem:$0x15800] =	vst v63  }
0x8c: {  	s26 =	simm.s32 $0x9280  }
0x8d: {  	[tilespmem:s17], [sflag:$0x1] =	stream.indirect.gather [hbm4b:s6+s13], $0x20, s26, s13, $0xb8;
	[tilespmem:$0x15800] =	vst v63  }
0x8e: {  	s29 =	simm.s32 $0x9300  }
0x8f: {  	[tilespmem:s19], [sflag:$0x1] =	stream.indirect.gather [hbm4b:s6+s13], $0x20, s29, s13, $0xb8;
	[tilespmem:$0x15800] =	vst v63  }
0x90: {  	s31 =	simm.s32 $0x9380  }
0x91: {  	[tilespmem:s21], [sflag:$0x1] =	stream.indirect.gather [hbm4b:s6+s13], $0x20, s31, s13, $0xb8;
	[tilespmem:$0x15800] =	vst v63  }
0x92: {  	s20 =	simm.s32 $0x9400  }
0x93: {  	[tilespmem:s23], [sflag:$0x1] =	stream.indirect.gather [hbm4b:s7+s13], $0x20, s20, s13, $0xb8;
	[tilespmem:$0x15800] =	vst v63  }
0x94: {  	s24 =	simm.s32 $0x9480  }
0x95: {  	[tilespmem:s25], [sflag:$0x1] =	stream.indirect.gather [hbm4b:s7+s13], $0x20, s24, s13, $0xb8;
	[tilespmem:$0x15800] =	vst v63  }
0x96: {  	s26 =	simm.s32 $0x9500  }
0x97: {  	[tilespmem:s28], [sflag:$0x1] =	stream.indirect.gather [hbm4b:s7+s13], $0x20, s26, s13, $0xb8;
	[tilespmem:$0x15800] =	vst v63  }
0x98: {  	s29 =	simm.s32 $0x9580  }
0x99: {  	[tilespmem:s30], [sflag:$0x1] =	stream.indirect.gather [hbm4b:s7+s13], $0x20, s29, s13, $0xb8;
	[tilespmem:$0x15800] =	vst v63  }
0x9a: {  	s31 =	simm.s32 $0x9600  }
0x9b: {  	[tilespmem:s0], [sflag:$0x1] =	stream.indirect.gather [hbm4b:s8+s13], $0x20, s31, s13, $0xb8;
	[tilespmem:$0x15800] =	vst v63  }
0x9c: {  	_ = 	snop  }
0x9d: {  	[tilespmem:s11], [sflag:$0x1] =	stream.indirect.gather [hbm4b:s8+s13], $0x20, s5, s13, $0xb8;
	[tilespmem:$0x15800] =	vst v63  }
0x9e: {  	_ = 	snop  }
0x9f: {  	[tilespmem:s1], [sflag:$0x1] =	stream.indirect.gather [hbm4b:s8+s13], $0x20, s4, s13, $0xb8;
	[tilespmem:$0x15800] =	vst v63  }
0xa0: {  	_ = 	snop  }
0xa1: {  	[tilespmem:s3], [sflag:$0x1] =	stream.indirect.gather [hbm4b:s8+s13], $0x20, s2, s13, $0xb8;
	[tilespmem:$0x15800] =	vst v63  }
0xa2: {  	_ =	swait.ge [sflag:s9], $0x1000  }
0xa3: {  	[sflag:s9] =	ssyncset.done $0x0  }
0xa4: {  	[sflag:s9] =	ssyncadd.s32 $0xFFFFF000  }
0xa5: {  	_ =	swait.ge [sflag:s9], $0x1000  }
0xa6: {  	[sflag:s9] =	ssyncset.done $0x0  }
0xa7: {  	[sflag:s9] =	ssyncadd.s32 $0xFFFFF000  }
0xa8: {  	_ =	swait.ge [sflag:s9], $0x1000  }
0xa9: {  	[sflag:s9] =	ssyncset.done $0x0  }
0xaa: {  	[sflag:s9] =	ssyncadd.s32 $0xFFFFF000  }
0xab: {  	_ =	swait.ge [sflag:s9], $0x1000  }
0xac: {  	[sflag:s9] =	ssyncset.done $0x0  }
0xad: {  	[sflag:s9] =	ssyncadd.s32 $0xFFFFF000  }
0xae: {  	_ =	swait.ge [sflag:s9], $0x1000  }
0xaf: {  	[sflag:s9] =	ssyncset.done $0x0  }
0xb0: {  	[sflag:s9] =	ssyncadd.s32 $0xFFFFF000  }
0xb1: {  	_ =	swait.ge [sflag:s9], $0x1000  }
0xb2: {  	[sflag:s9] =	ssyncset.done $0x0  }
0xb3: {  	[sflag:s9] =	ssyncadd.s32 $0xFFFFF000  }
0xb4: {  	_ =	swait.ge [sflag:s9], $0x1000  }
0xb5: {  	[sflag:s9] =	ssyncset.done $0x0  }
0xb6: {  	[sflag:s9] =	ssyncadd.s32 $0xFFFFF000  }
0xb7: {  	_ =	swait.ge [sflag:s9], $0x1000  }
0xb8: {  	[sflag:s9] =	ssyncset.done $0x0  }
0xb9: {  	[sflag:s9] =	ssyncadd.s32 $0xFFFFF000  }
0xba: {  	_ =	swait.ge [sflag:s9], $0x1000  }
0xbb: {  	[sflag:s9] =	ssyncset.done $0x0  }
0xbc: {  	[sflag:s9] =	ssyncadd.s32 $0xFFFFF000  }
0xbd: {  	_ =	swait.ge [sflag:s9], $0x1000  }
0xbe: {  	[sflag:s9] =	ssyncset.done $0x0  }
0xbf: {  	[sflag:s9] =	ssyncadd.s32 $0xFFFFF000  }
0xc0: {  	_ =	swait.ge [sflag:s9], $0x1000  }
0xc1: {  	[sflag:s9] =	ssyncset.done $0x0  }
0xc2: {  	[sflag:s9] =	ssyncadd.s32 $0xFFFFF000  }
0xc3: {  	_ =	swait.ge [sflag:s9], $0x1000  }
0xc4: {  	[sflag:s9] =	ssyncset.done $0x0  }
0xc5: {  	v1 =	vlaneseq.u32;
	s16 =	smov.u32 s22;
	s20 =	simm.s32 $0x0;
	[sflag:s9] =	ssyncadd.s32 $0xFFFFF000  }
.LBB2_6:
0xc6: {  	v14 =	vimm.s32 $0x0  }
0xc7: {  	v12 =	vshll.u32 v1, $0x5;
	v2 =	vand.u32 $0xFFFFFFF8, v14  }
0xc8: {  	v3 =	vand.u32 $0x7, v14;
	v2 =	vadd.s32 v12, v2  }
0xc9: {  	v17 =	vor.u32 v3, v2;
	_ =	sdelay $0x1  }
0xca: {  	s24 =	sshll.u32 s20, $0x4  }
0xcb: {  	v5 =	vld [tilespmem:s24+$0xC00]  }
0xcc: {  	v6 =	vld [tilespmem:s24+$0xC80]  }
0xcd: {  	v4 =	vld.idx.msk [tilespmem:v17+s15+$0x0], $0xffff  }
0xce: {  	v8 =	vld.idx.msk [tilespmem:v17+s17+$0x0], $0xffff  }
0xcf: {  	v7 =	vld [tilespmem:s24+$0xD00]  }
0xd0: {  	v9 =	vld.idx.msk [tilespmem:v17+s19+$0x0], $0xffff  }
0xd1: {  	v3 =	vld [tilespmem:s24+$0xD80]  }
0xd2: {  	v10 =	vld.idx.msk [tilespmem:v17+s21+$0x0], $0xffff  }
0xd3: {  	v2 =	vld [tilespmem:s24+$0xE00];
	v11 =	vmul.f32 v4, v5;
	v8 =	vmul.f32 v8, v6  }
0xd4: {  	v13 =	vld.idx.msk [tilespmem:v17+s23+$0x0], $0xffff  }
0xd5: {  	v15 =	vld.idx.msk [tilespmem:v17+s25+$0x0], $0xffff;
	v9 =	vmul.f32 v9, v7;
	v11 =	vadd.f32 v8, v11  }
0xd6: {  	v4 =	vld [tilespmem:s24+$0xE80]  }
0xd7: {  	v16 =	vld.idx.msk [tilespmem:v17+s28+$0x0], $0xffff;
	v10 =	vmul.f32 v10, v3;
	v11 =	vadd.f32 v9, v11  }
0xd8: {  	v8 =	vld [tilespmem:s24+$0xF00]  }
0xd9: {  	v18 =	vld.idx.msk [tilespmem:v17+s30+$0x0], $0xffff;
	v13 =	vmul.f32 v13, v2;
	v11 =	vadd.f32 v10, v11  }
0xda: {  	v9 =	vld [tilespmem:s24+$0xF80]  }
0xdb: {  	v19 =	vld.idx.msk [tilespmem:v17+s0+$0x0], $0xffff;
	v15 =	vmul.f32 v15, v4;
	v13 =	vadd.f32 v13, v11  }
0xdc: {  	v10 =	vld [tilespmem:s24+$0x1000]  }
0xdd: {  	v13 =	vadd.f32 v15, v13;
	v15 =	vmul.f32 v16, v8  }
0xde: {  	v11 =	vld [tilespmem:s24+$0x1080]  }
0xdf: {  	v18 =	vmul.f32 v18, v9;
	v16 =	vld.idx.msk [tilespmem:v17+s11+$0x0], $0xffff;
	v15 =	vadd.f32 v15, v13  }
0xe0: {  	v20 =	vld.idx.msk [tilespmem:v17+s1+$0x0], $0xffff  }
0xe1: {  	v13 =	vld [tilespmem:s24+$0x1100];
	v15 =	vadd.f32 v18, v15;
	v18 =	vmul.f32 v19, v10  }
0xe2: {  	v17 =	vld.idx.msk [tilespmem:v17+s3+$0x0], $0xffff  }
0xe3: {  	v18 =	vadd.f32 v18, v15;
	v15 =	vld [tilespmem:s24+$0x1180]  }
0xe4: {  	v19 =	vmul.f32 v16, v11  }
0xe5: {  	v16 =	vadd.s32 $0x1, v14  }
0xe6: {  	v21 =	vand.u32 $0xFFFFFFF8, v16;
	v18 =	vadd.f32 v19, v18;
	v19 =	vmul.f32 v20, v13  }
0xe7: {  	s29 =	simm.s32 $0x2000;
	s26 =	simm.s32 $0x0;
	v14 =	vmov s16;
	s24 =	simm.s32 $0x1000;
	v21 =	vadd.s32 v12, v21;
	v20 =	vand.u32 $0x7, v16  }
.LBB2_7:
0xe8: {  	p0 =	sne.s32 s29, $0x1F000;
	v20 =	vor.u32 v20, v21;
	v18 =	vadd.f32 v19, v18;
	v17 =	vmul.f32 v17, v15;
	_ =	sdelay $0x1  }
0xe9: {  	v17 =	vadd.f32 v17, v18  }
0xea: {  	s31 =	sshra.s32 s26, $0x2;
	s26 =	smov.u32 s24;
	s24 =	smov.u32 s29  }
0xeb: {  	[tilespmem:v14+s31+$0x0 ss:$0x1] =	vst.idx.msk $0xffff, v17  }
0xec: {  	v17 =	vld.idx.msk [tilespmem:v20+s15+$0x0], $0xffff  }
0xed: {  	v18 =	vld.idx.msk [tilespmem:v20+s17+$0x0], $0xffff;
	_ =	sdelay $0x1  }
0xee: {  	v19 =	vld.idx.msk [tilespmem:v20+s19+$0x0], $0xffff;
	_ =	sdelay $0x1  }
0xef: {  	v21 =	vld.idx.msk [tilespmem:v20+s21+$0x0], $0xffff;
	_ =	sdelay $0x1  }
0xf0: {  	v17 =	vmul.f32 v17, v5;
	v18 =	vmul.f32 v18, v6;
	v22 =	vld.idx.msk [tilespmem:v20+s23+$0x0], $0xffff;
	_ =	sdelay $0x1  }
0xf1: {  	v17 =	vadd.f32 v18, v17;
	v18 =	vmul.f32 v19, v7;
	v19 =	vld.idx.msk [tilespmem:v20+s25+$0x0], $0xffff;
	_ =	sdelay $0x1  }
0xf2: {  	v17 =	vadd.f32 v18, v17;
	v18 =	vmul.f32 v21, v3;
	v21 =	vld.idx.msk [tilespmem:v20+s28+$0x0], $0xffff;
	_ =	sdelay $0x1  }
0xf3: {  	v17 =	vadd.f32 v18, v17;
	v18 =	vmul.f32 v22, v2;
	v22 =	vld.idx.msk [tilespmem:v20+s30+$0x0], $0xffff;
	_ =	sdelay $0x1  }
0xf4: {  	v17 =	vadd.f32 v18, v17;
	v18 =	vmul.f32 v19, v4;
	v19 =	vld.idx.msk [tilespmem:v20+s0+$0x0], $0xffff;
	_ =	sdelay $0x1  }
0xf5: {  	v17 =	vadd.f32 v18, v17;
	v18 =	vmul.f32 v21, v8;
	v21 =	vld.idx.msk [tilespmem:v20+s11+$0x0], $0xffff;
	_ =	sdelay $0x1  }
0xf6: {  	v17 =	vadd.f32 v18, v17;
	v18 =	vmul.f32 v22, v9;
	v22 =	vld.idx.msk [tilespmem:v20+s1+$0x0], $0xffff;
	_ =	sdelay $0x1  }
0xf7: {  	v18 =	vadd.f32 v18, v17;
	v19 =	vmul.f32 v19, v10;
	v17 =	vld.idx.msk [tilespmem:v20+s3+$0x0], $0xffff  }
.Ltmp1:
0xf8: {  	(pc) =	sbr.rel @p0 .LBB2_7-.Ltmp1, $4  }
0xf9: {  	v18 =	vadd.f32 v19, v18;
	v19 =	vmul.f32 v21, v11  }
0xfa: {  	v16 =	vadd.s32 $0x1, v16  }
0xfb: {  	v21 =	vand.u32 $0xFFFFFFF8, v16;
	v18 =	vadd.f32 v19, v18;
	v19 =	vmul.f32 v22, v13  }
0xfc: {  	s29 =	sadd.s32 $0x1000, s29;
	v20 =	vand.u32 $0x7, v16;
	v21 =	vadd.s32 v12, v21  }
0xfd: {  	v12 =	vor.u32 v20, v21;
	v16 =	vadd.f32 v19, v18;
	v17 =	vmul.f32 v17, v15;
	_ =	sdelay $0x1  }
0xfe: {  	v16 =	vadd.f32 v17, v16  }
0xff: {  	s26 =	sshra.s32 s26, $0x2  }
0x100: {  	[tilespmem:v14+s26+$0x0 ss:$0x1] =	vst.idx.msk $0xffff, v16  }
0x101: {  	v16 =	vld.idx.msk [tilespmem:v12+s15+$0x0], $0xffff  }
0x102: {  	v52 =	vld.idx.msk [tilespmem:v12+s17+$0x0], $0xffff;
	_ =	sdelay $0x1  }
0x103: {  	v53 =	vld.idx.msk [tilespmem:v12+s19+$0x0], $0xffff;
	_ =	sdelay $0x1  }
0x104: {  	v54 =	vld.idx.msk [tilespmem:v12+s21+$0x0], $0xffff  }
0x105: {  	v5 =	vmul.f32 v16, v5;
	v6 =	vmul.f32 v52, v6  }
0x106: {  	v55 =	vld.idx.msk [tilespmem:v12+s23+$0x0], $0xffff  }
0x107: {  	v56 =	vmul.f32 v53, v7;
	v5 =	vadd.f32 v6, v5  }
0x108: {  	v57 =	vld.idx.msk [tilespmem:v12+s25+$0x0], $0xffff  }
0x109: {  	v3 =	vmul.f32 v54, v3;
	v5 =	vadd.f32 v56, v5  }
0x10a: {  	v58 =	vld.idx.msk [tilespmem:v12+s28+$0x0], $0xffff  }
0x10b: {  	v2 =	vmul.f32 v55, v2;
	v3 =	vadd.f32 v3, v5  }
0x10c: {  	v59 =	vld.idx.msk [tilespmem:v12+s30+$0x0], $0xffff  }
0x10d: {  	v2 =	vadd.f32 v2, v3;
	v3 =	vmul.f32 v57, v4  }
0x10e: {  	v60 =	vld.idx.msk [tilespmem:v12+s0+$0x0], $0xffff  }
0x10f: {  	v2 =	vadd.f32 v3, v2;
	v3 =	vmul.f32 v58, v8  }
0x110: {  	v61 =	vld.idx.msk [tilespmem:v12+s11+$0x0], $0xffff  }
0x111: {  	v2 =	vadd.f32 v3, v2;
	v3 =	vmul.f32 v59, v9  }
0x112: {  	v62 =	vld.idx.msk [tilespmem:v12+s1+$0x0], $0xffff  }
0x113: {  	v2 =	vadd.f32 v3, v2;
	v3 =	vmul.f32 v60, v10  }
0x114: {  	v63 =	vld.idx.msk [tilespmem:v12+s3+$0x0], $0xffff  }
0x115: {  	v2 =	vadd.f32 v3, v2;
	v3 =	vmul.f32 v61, v11;
	_ =	sdelay $0x1  }
0x116: {  	s20 =	sadd.s32 $0x1, s20;
	v2 =	vadd.f32 v3, v2;
	v3 =	vmul.f32 v62, v13  }
0x117: {  	p0 =	sne.s32 s20, $0x8  }
.Ltmp2:
0x118: {  	v2 =	vadd.f32 v3, v2;
	v3 =	vmul.f32 v63, v15;
	(pc) =	sbr.rel @p0 .LBB2_6-.Ltmp2, $4  }
0x119: {  	_ = 	snop  }
0x11a: {  	v2 =	vadd.f32 v3, v2  }
0x11b: {  	s24 =	sshra.s32 s24, $0x2  }
0x11c: {  	v1 =	vadd.s32 $0x10, v1;
	s16 =	sadd.s32 $0x10, s16;
	[tilespmem:v14+s24+$0x0 ss:$0x1] =	vst.idx.msk $0xffff, v2  }
0x11d: {  	s18 =	sadd.s32 $0x1, s18  }
0x11e: {  	p0 =	sne.s32 s18, $0x8  }
.Ltmp3:
0x11f: {  	_ = 	snop;
	(pc) =	sbr.rel @p0 .LBB2_3-.Ltmp3, $3  }
0x120: {  	_ =	sdelay $0x1  }
0x121: {  	s14 =	sadd.s32 $0x80, s14  }
0x122: {  	s10 =	sadd.s32 $0x80, s10;
	s12 =	sadd.s32 $0x80, s12;
	s22 =	sadd.s32 $0x80, s22  }
0x123: {  	s10 =	rddreg [dreg:$0x6]  }
0x124: {  	s12 =	rddreg [dreg:$0xa];
	s29 =	simm.s32 $0x400;
	s14 =	simm.s32 $0x100000  }
0x125: {  	s16 =	simm.s32 $0x1200;
	s18 =	simm.s32 $0x2;
	s10 =	sadd.s32 s10, s12  }
0x126: {  	[hbm4b:s10+s29] =	stream.strided.scatter [tilespmem:s16], [sflag:$0x2], $0x8000, s14, s29, $0x38;
	[tilespmem:$0x15800] =	vst v63  }
0x127: {  	_ =	swait.ge [sflag:s18], $0x8000  }
0x128: {  	s31 =	rddreg [dreg:$0x9]  }
0x129: {  	s10 =	sadd.s32 $0x1, s31  }
0x12a: {  	p0 =	sne.s32 s10, $0x20  }
.Ltmp4:
0x12b: {  	_ = 	snop;
	(pc) =	sbr.rel @p0 .LBB2_2-.Ltmp4, $3  }
0x12c: {  	_ =	sdelay $0x1  }
0x12d: {  	[sflag:s18] =	ssyncset.done $0x0  }
0x12e: {  	[sflag:s18] =	ssyncadd.s32 $0xFFFF8000  }
0x12f: {  	s10 =	rddreg [dreg:$0x5]  }
0x130: {  	s12 =	rddreg [dreg:$0x8];
	s10 =	sadd.s32 $0x1, s10  }
0x131: {  	p0 =	sne.s32 s10, s12  }
.Ltmp5:
0x132: {  	_ = 	snop;
	(pc) =	sbr.rel @p0 .LBB2_1-.Ltmp5, $1  }
0x133: {  	_ =	sdelay $0x3  }
0x134: {  	_ =	sfence.sel $0x180000  }
0x135: {  	[bflag:$0x0] =	sbarrier.arrive $0xFFFF  }
0x136: {  	_ =	strace $0x90000047  }
0x137: {  	s0 =	stileid.u32;
	[bflag:$0x2] =	sbarrier.arrive $0xFFFF  }
0x138: {  	p0 =	sne.s32 s0, $0x0;
	s0 =	rddreg [dreg:$0x4]  }
0x139: {  	s0 =	sadd.s32 @!p0 $0x100000, s0  }
0x13a: {  	[sflag:s0] =	ssyncadd.tile.s32 @!p0 $0x1;
	_ =	shalt  }
.Lfunc_end2:
_tile_overlayer_lowered:
.L_overlay_start_2:
0x13b: {  	(tag) =	ssettag $0x2  }
0x13c: {  	s0 =	rddreg [dreg:$0x0];
	s2 =	stileid.u32  }
0x13d: {  	s1 =	rddreg [dreg:$0x1];
	p0 =	sne.s32 s2, $0x0  }
0x13e: {  	s3 =	rddreg [dreg:$0x2];
	[bflag:$0x3] =	sbarrier.arrive $0xFFFF;
	s2 =	simm.s32 @!p0 $0x1C02  }
0x13f: {  	[timem:s3], [sflag:s2] =	dma.local @!p0 [hbm:s0], s1  }
0x140: {  	s0 =	simm.s32 @!p0 $0x2  }
0x141: {  	_ =	swait.ge @!p0 [sflag:s0], s1  }
0x142: {  	s1 =	ssub.s32 @!p0 $0x0, s1;
	[sflag:s0] =	ssyncset.done @!p0 $0x0  }
0x143: {  	[sflag:s0] =	ssyncadd.s32 @!p0 s1  }
0x144: {  	[bflag:$0x3] =	sbarrier.arrive $0xFFFF  }
0x145: {  	_ =	shalt  }

</sc_bundles>
